<compile_context>
chip_gen: v7x
topology: tpu7x:2x2x1
jax: 0.10.2.dev20260603
libtpu: 0.0.44.dev20260713+nightly
codegen_flags: <defaults>
</compile_context>

<pallas_src>
import jax
import jax.numpy as jnp
from jax import lax
from jax.experimental import pallas as pl
from jax.experimental.pallas import tpu as pltpu
from jax.experimental.pallas import tpu_sc as plsc

F32 = jnp.float32

_NC = 2
_NS = 16
_CH = 128
_RB = 1024


def _pad_up(x, m):
    return ((x + m - 1) // m) * m


def kernel(features, edge_index, W, b):
    N, D = features.shape
    Dout = W.shape[0]
    E = edge_index.shape[1]
    DH = D // _NC

    NP = _pad_up(N, _RB)
    RPS = NP // _NS
    EP = _pad_up(E, _NC * _NS * _CH)
    NCH = EP // (_NS * _CH)
    NCHD = EP // (_NC * _NS * _CH)
    NB = NP // _RB

    src = edge_index[0]
    dst = edge_index[1]
    pad_e = EP - E
    srcp = jnp.concatenate([src, jnp.zeros((pad_e,), jnp.int32)])
    dstp = jnp.concatenate([dst, jnp.full((pad_e,), NP - 1, jnp.int32)])
    src_off = jnp.stack([srcp, srcp + NP]).reshape(_NC, _NS, NCH, _CH)
    dst_g = dstp.reshape(_NS, NCH, _CH)
    dst_d = dstp.reshape(_NC, _NS, NCHD, _CH)
    f_pad = jnp.pad(features, ((0, NP - N), (0, 0)))

    mesh = plsc.VectorSubcoreMesh(core_axis_name="c", subcore_axis_name="s")

    def _deg_body(dst_hbm, deg_hbm, idx_v, ones_v, zero_v, acc_sh):
        c = lax.axis_index("c")
        s = lax.axis_index("s")

        def fill_z(i, carry):
            zero_v[pl.ds(i * 16, 16)] = jnp.zeros((16,), F32)
            return carry

        lax.fori_loop(0, RPS // 16, fill_z, 0)
        for q in range(_CH // 16):
            ones_v[pl.ds(q * 16, 16)] = jnp.ones((16,), F32)
        pltpu.sync_copy(zero_v, acc_sh.at[pl.ds(s * RPS, RPS)])
        plsc.subcore_barrier()

        pltpu.sync_copy(dst_hbm.at[c, s], idx_v)

        def count(j, carry):
            pltpu.sync_copy(ones_v, acc_sh.at[idx_v.at[j]], add=True)
            return carry

        lax.fori_loop(0, NCHD, count, 0)
        plsc.subcore_barrier()
        pltpu.sync_copy(acc_sh.at[pl.ds(s * RPS, RPS)],
                        deg_hbm.at[c, pl.ds(s * RPS, RPS)])

    deg2 = pl.kernel(
        _deg_body,
        out_type=jax.ShapeDtypeStruct((_NC, NP), F32),
        mesh=mesh,
        scratch_types=[
            pltpu.VMEM((NCHD, _CH), jnp.int32),
            pltpu.VMEM((_CH,), F32),
            pltpu.VMEM((RPS,), F32),
            pltpu.VMEM_SHARED((NP,), F32),
        ],
    )(dst_d)

    def _norm_body(deg_ref, norm_ref):
        d = deg_ref[0:1, :] + deg_ref[1:2, :]
        norm_ref[...] = jnp.where(d > 0, lax.rsqrt(d), 0.0)

    norm_row = pl.pallas_call(
        _norm_body,
        grid=(1,),
        in_specs=[pl.BlockSpec((_NC, NP), lambda i: (0, 0))],
        out_specs=pl.BlockSpec((1, NP), lambda i: (0, 0)),
        out_shape=jax.ShapeDtypeStruct((1, NP), F32),
    )(deg2)
    norm_col = norm_row.reshape(NP, 1)

    def _scale_body(f_ref, n_ref, h_ref):
        h_ref[...] = f_ref[...] * n_ref[...]

    h_split = pl.pallas_call(
        _scale_body,
        grid=(_NC, NB),
        in_specs=[
            pl.BlockSpec((_RB, DH), lambda c, i: (i, c)),
            pl.BlockSpec((_RB, 1), lambda c, i: (i, 0)),
        ],
        out_specs=pl.BlockSpec((_RB, DH), lambda c, i: (c * NB + i, 0)),
        out_shape=jax.ShapeDtypeStruct((_NC * NP, DH), F32),
    )(f_pad, norm_col)

    def _scatter_body(h_hbm, src_hbm, dstg_hbm, agg_hbm,
                      src_v, dst_v, rows_v, acc_sh):
        c = lax.axis_index("c")
        s = lax.axis_index("s")

        def fill_z(i, carry):
            for q in range(DH // 16):
                rows_v[i, pl.ds(q * 16, 16)] = jnp.zeros((16,), F32)
            return carry

        lax.fori_loop(0, _CH, fill_z, 0)

        def zcopy(k, carry):
            pltpu.sync_copy(rows_v, acc_sh.at[pl.ds(s * RPS + k * _CH, _CH)])
            return carry

        lax.fori_loop(0, RPS // _CH, zcopy, 0)
        plsc.subcore_barrier()

        pltpu.sync_copy(src_hbm.at[c, s], src_v)
        pltpu.sync_copy(dstg_hbm.at[s], dst_v)

        def step(j, carry):
            pltpu.sync_copy(h_hbm.at[src_v.at[j]], rows_v)
            pltpu.sync_copy(rows_v, acc_sh.at[dst_v.at[j]], add=True)
            return carry

        lax.fori_loop(0, NCH, step, 0)
        plsc.subcore_barrier()
        pltpu.sync_copy(acc_sh.at[pl.ds(s * RPS, RPS)],
                        agg_hbm.at[pl.ds(c * NP + s * RPS, RPS)])

    agg = pl.kernel(
        _scatter_body,
        out_type=jax.ShapeDtypeStruct((_NC * NP, DH), F32),
        mesh=mesh,
        scratch_types=[
            pltpu.VMEM((NCH, _CH), jnp.int32),
            pltpu.VMEM((NCH, _CH), jnp.int32),
            pltpu.VMEM((_CH, DH), F32),
            pltpu.VMEM_SHARED((NP, DH), F32),
        ],
    )(h_split, src_off, dst_g)

    def _final_body(a_l, a_r, n_ref, w_ref, b_ref, o_ref):
        agg_blk = jnp.concatenate([a_l[...], a_r[...]], axis=1)
        h2 = agg_blk * n_ref[...]
        o_ref[...] = lax.dot_general(
            h2, w_ref[...], (((1,), (1,)), ((), ())),
            preferred_element_type=F32) + b_ref[...]

    out_pad = pl.pallas_call(
        _final_body,
        grid=(NB,),
        in_specs=[
            pl.BlockSpec((_RB, DH), lambda i: (i, 0)),
            pl.BlockSpec((_RB, DH), lambda i: (NB + i, 0)),
            pl.BlockSpec((_RB, 1), lambda i: (i, 0)),
            pl.BlockSpec((Dout, D), lambda i: (0, 0)),
            pl.BlockSpec((1, Dout), lambda i: (0, 0)),
        ],
        out_specs=pl.BlockSpec((_RB, Dout), lambda i: (i, 0)),
        out_shape=jax.ShapeDtypeStruct((NP, Dout), F32),
    )(agg, agg, norm_col, W, b.reshape(1, Dout))

    return out_pad[:N]

# --- scband reference (transcript-rebuilt; emitter-appended) ---
"""Pipeline reference for scband-gcnlayer-43473658970437 (READ-ONLY COPY).

The authoritative reference and input builder live on the scoring server;
editing this copy changes nothing except your own understanding.
"""

import jax, jax.numpy as jnp
import numpy as np

N = 10000
E = 160000
D_IN = 256
D_OUT = 256

def setup_inputs(seed: int = 0) -> dict:
    key = jax.random.key(seed)
    k1, k2, k3, k4 = jax.random.split(key, 4)
    features = jax.random.normal(k1, (N, D_IN), dtype=jnp.float32)
    edge_index = jax.random.randint(k2, (2, E), 0, N, dtype=jnp.int32)
    # nn.Linear(in_feats, out_feats): weight [out, in], bias [out]
    bound = 1.0 / np.sqrt(D_IN)
    W = jax.random.uniform(k3, (D_OUT, D_IN), minval=-bound, maxval=bound, dtype=jnp.float32)
    b = jax.random.uniform(k4, (D_OUT,), minval=-bound, maxval=bound, dtype=jnp.float32)
    return {"features": features, "edge_index": edge_index, "W": W, "b": b}

def reference(features, edge_index, W, b):
    src = edge_index[0]
    dst = edge_index[1]
    # in-degrees (messages flow src -> dst, so in-degree counts dst occurrences)
    deg = jnp.bincount(dst, length=N).astype(jnp.float32)
    # degs^-0.5; guard isolated nodes (DGL yields inf there, we zero them out)
    norm = jnp.where(deg > 0, jax.lax.rsqrt(deg), 0.0)
    h = features * norm[:, None]
    # update_all(copy_u('h','m'), sum('m','h')): gather from src, scatter-add to dst
    msgs = jnp.take(h, src, axis=0)
    agg = jax.ops.segment_sum(msgs, dst, num_segments=N)
    h2 = agg * norm[:, None]
    # linear layer
    return h2 @ W.T + b

if __name__ == "__main__":
    import jax
    _d = setup_inputs()
    print(jax.jit(kernel)(*tuple(_d.values())))

</pallas_src>

<mosaic_0001>
#map = affine_map<(d0, d1) -> (0, 0)>
#map1 = affine_map<(d0, d1) -> (0, 0, 0, 0)>
#map2 = affine_map<(d0, d1) -> (0, 0, 0)>
module attributes {stable_mosaic.version = 14 : i64} {
  func.func @_scatter_body(%arg0: i32, %arg1: i32, %arg2: memref<20480x128xf32, #tpu.memory_space<hbm>>, %arg3: memref<2x16x80x128xi32, #tpu.memory_space<hbm>>, %arg4: memref<16x80x128xi32, #tpu.memory_space<hbm>>, %arg5: memref<20480x128xf32, #tpu.memory_space<hbm>>, %arg6: memref<80x128xi32, #tpu.memory_space<vmem>>, %arg7: memref<80x128xi32, #tpu.memory_space<vmem>>, %arg8: memref<128x128xf32, #tpu.memory_space<vmem>>, %arg9: memref<10240x128xf32, #tpu.memory_space<vmem_shared>>) attributes {dimension_semantics = [#tpu.dimension_semantics<core_parallel>, #tpu.dimension_semantics<subcore_parallel>], iteration_bounds = array<i64: 2, 16>, scalar_prefetch = 0 : i64, scratch_operands = 4 : i64, tpu.core_type = #tpu.core_type<sc_vector_subcore>, window_params = [{transform_indices = #map}, {transform_indices = #map1}, {transform_indices = #map2}, {transform_indices = #map}]} {
    %scan3A = arith.constant 0 : i32
    %scan3A_0 = arith.constant 0 : i32
    %scan3A_1 = arith.constant 128 : i32
    %scan3A_2 = arith.addi %scan3A_0, %scan3A_1 : i32
    %scan3A_3 = arith.constant 1 : i32
    scf.for %scan3A_23 = %scan3A_0 to %scan3A_2 step %scan3A_3  : i32 {
      %broadcast_in_dim3A = arith.constant 0.000000e+00 : f32
      %broadcast_in_dim3A_24 = vector.broadcast %broadcast_in_dim3A : f32 to vector<16xf32>
      %swap3A = arith.index_cast %scan3A_23 : i32 to index
      %swap3A_25 = arith.constant 0 : index
      %swap3A_26 = tpu.vector_load %arg8[%swap3A, %swap3A_25] {strides = array<i32>} : memref<128x128xf32, #tpu.memory_space<vmem>>, vector<1x16xf32>,
      %swap3A_27 = vector.shape_cast %swap3A_26 : vector<1x16xf32> to vector<16xf32>
      %swap3A_28 = vector.shape_cast %broadcast_in_dim3A_24 : vector<16xf32> to vector<1x16xf32>
      tpu.vector_store %arg8[%swap3A, %swap3A_25], %swap3A_28 {strides = array<i32>} : memref<128x128xf32, #tpu.memory_space<vmem>>, vector<1x16xf32>,
      %broadcast_in_dim3A_29 = arith.constant 0.000000e+00 : f32
      %broadcast_in_dim3A_30 = vector.broadcast %broadcast_in_dim3A_29 : f32 to vector<16xf32>
      %swap3A_31 = arith.index_cast %scan3A_23 : i32 to index
      %swap3A_32 = arith.constant 16 : index
      %swap3A_33 = tpu.vector_load %arg8[%swap3A_31, %swap3A_32] {strides = array<i32>} : memref<128x128xf32, #tpu.memory_space<vmem>>, vector<1x16xf32>,
      %swap3A_34 = vector.shape_cast %swap3A_33 : vector<1x16xf32> to vector<16xf32>
      %swap3A_35 = vector.shape_cast %broadcast_in_dim3A_30 : vector<16xf32> to vector<1x16xf32>
      tpu.vector_store %arg8[%swap3A_31, %swap3A_32], %swap3A_35 {strides = array<i32>} : memref<128x128xf32, #tpu.memory_space<vmem>>, vector<1x16xf32>,
      %broadcast_in_dim3A_36 = arith.constant 0.000000e+00 : f32
      %broadcast_in_dim3A_37 = vector.broadcast %broadcast_in_dim3A_36 : f32 to vector<16xf32>
      %swap3A_38 = arith.index_cast %scan3A_23 : i32 to index
      %swap3A_39 = arith.constant 32 : index
      %swap3A_40 = tpu.vector_load %arg8[%swap3A_38, %swap3A_39] {strides = array<i32>} : memref<128x128xf32, #tpu.memory_space<vmem>>, vector<1x16xf32>,
      %swap3A_41 = vector.shape_cast %swap3A_40 : vector<1x16xf32> to vector<16xf32>
      %swap3A_42 = vector.shape_cast %broadcast_in_dim3A_37 : vector<16xf32> to vector<1x16xf32>
      tpu.vector_store %arg8[%swap3A_38, %swap3A_39], %swap3A_42 {strides = array<i32>} : memref<128x128xf32, #tpu.memory_space<vmem>>, vector<1x16xf32>,
      %broadcast_in_dim3A_43 = arith.constant 0.000000e+00 : f32
      %broadcast_in_dim3A_44 = vector.broadcast %broadcast_in_dim3A_43 : f32 to vector<16xf32>
      %swap3A_45 = arith.index_cast %scan3A_23 : i32 to index
      %swap3A_46 = arith.constant 48 : index
      %swap3A_47 = tpu.vector_load %arg8[%swap3A_45, %swap3A_46] {strides = array<i32>} : memref<128x128xf32, #tpu.memory_space<vmem>>, vector<1x16xf32>,
      %swap3A_48 = vector.shape_cast %swap3A_47 : vector<1x16xf32> to vector<16xf32>
      %swap3A_49 = vector.shape_cast %broadcast_in_dim3A_44 : vector<16xf32> to vector<1x16xf32>
      tpu.vector_store %arg8[%swap3A_45, %swap3A_46], %swap3A_49 {strides = array<i32>} : memref<128x128xf32, #tpu.memory_space<vmem>>, vector<1x16xf32>,
      %broadcast_in_dim3A_50 = arith.constant 0.000000e+00 : f32
      %broadcast_in_dim3A_51 = vector.broadcast %broadcast_in_dim3A_50 : f32 to vector<16xf32>
      %swap3A_52 = arith.index_cast %scan3A_23 : i32 to index
      %swap3A_53 = arith.constant 64 : index
      %swap3A_54 = tpu.vector_load %arg8[%swap3A_52, %swap3A_53] {strides = array<i32>} : memref<128x128xf32, #tpu.memory_space<vmem>>, vector<1x16xf32>,
      %swap3A_55 = vector.shape_cast %swap3A_54 : vector<1x16xf32> to vector<16xf32>
      %swap3A_56 = vector.shape_cast %broadcast_in_dim3A_51 : vector<16xf32> to vector<1x16xf32>
      tpu.vector_store %arg8[%swap3A_52, %swap3A_53], %swap3A_56 {strides = array<i32>} : memref<128x128xf32, #tpu.memory_space<vmem>>, vector<1x16xf32>,
      %broadcast_in_dim3A_57 = arith.constant 0.000000e+00 : f32
      %broadcast_in_dim3A_58 = vector.broadcast %broadcast_in_dim3A_57 : f32 to vector<16xf32>
      %swap3A_59 = arith.index_cast %scan3A_23 : i32 to index
      %swap3A_60 = arith.constant 80 : index
      %swap3A_61 = tpu.vector_load %arg8[%swap3A_59, %swap3A_60] {strides = array<i32>} : memref<128x128xf32, #tpu.memory_space<vmem>>, vector<1x16xf32>,
      %swap3A_62 = vector.shape_cast %swap3A_61 : vector<1x16xf32> to vector<16xf32>
      %swap3A_63 = vector.shape_cast %broadcast_in_dim3A_58 : vector<16xf32> to vector<1x16xf32>
      tpu.vector_store %arg8[%swap3A_59, %swap3A_60], %swap3A_63 {strides = array<i32>} : memref<128x128xf32, #tpu.memory_space<vmem>>, vector<1x16xf32>,
      %broadcast_in_dim3A_64 = arith.constant 0.000000e+00 : f32
      %broadcast_in_dim3A_65 = vector.broadcast %broadcast_in_dim3A_64 : f32 to vector<16xf32>
      %swap3A_66 = arith.index_cast %scan3A_23 : i32 to index
      %swap3A_67 = arith.constant 96 : index
      %swap3A_68 = tpu.vector_load %arg8[%swap3A_66, %swap3A_67] {strides = array<i32>} : memref<128x128xf32, #tpu.memory_space<vmem>>, vector<1x16xf32>,
      %swap3A_69 = vector.shape_cast %swap3A_68 : vector<1x16xf32> to vector<16xf32>
      %swap3A_70 = vector.shape_cast %broadcast_in_dim3A_65 : vector<16xf32> to vector<1x16xf32>
      tpu.vector_store %arg8[%swap3A_66, %swap3A_67], %swap3A_70 {strides = array<i32>} : memref<128x128xf32, #tpu.memory_space<vmem>>, vector<1x16xf32>,
      %broadcast_in_dim3A_71 = arith.constant 0.000000e+00 : f32
      %broadcast_in_dim3A_72 = vector.broadcast %broadcast_in_dim3A_71 : f32 to vector<16xf32>
      %swap3A_73 = arith.index_cast %scan3A_23 : i32 to index
      %swap3A_74 = arith.constant 112 : index
      %swap3A_75 = tpu.vector_load %arg8[%swap3A_73, %swap3A_74] {strides = array<i32>} : memref<128x128xf32, #tpu.memory_space<vmem>>, vector<1x16xf32>,
      %swap3A_76 = vector.shape_cast %swap3A_75 : vector<1x16xf32> to vector<16xf32>
      %swap3A_77 = vector.shape_cast %broadcast_in_dim3A_72 : vector<16xf32> to vector<1x16xf32>
      tpu.vector_store %arg8[%swap3A_73, %swap3A_74], %swap3A_77 {strides = array<i32>} : memref<128x128xf32, #tpu.memory_space<vmem>>, vector<1x16xf32>,
    }
    %scan3A_4 = arith.constant 128 : i32
    %scan3A_5 = arith.constant 0 : i32
    %scan3A_6 = arith.constant 0 : i32
    %scan3A_7 = arith.constant 5 : i32
    %scan3A_8 = arith.addi %scan3A_6, %scan3A_7 : i32
    %scan3A_9 = arith.constant 1 : i32
    scf.for %scan3A_23 = %scan3A_6 to %scan3A_8 step %scan3A_9  : i32 {
      %mul3A_24 = arith.constant 640 : i32
      %mul3A_25 = arith.muli %arg1, %mul3A_24 : i32
      %mul3A_26 = arith.constant 128 : i32
      %mul3A_27 = arith.muli %scan3A_23, %mul3A_26 : i32
      %add3A_28 = arith.addi %mul3A_25, %mul3A_27 : i32
      "tpu.region"() ({
        %run_scoped3A = tpu.sem_alloc : memref<!tpu.dma_semaphore, #tpu.memory_space<semaphore_mem>>
        %dma_start3A = arith.constant 0 : i32
        %dma_start3A_29 = tpu.memref_slice %arg9[%add3A_28, %dma_start3A] : memref<10240x128xf32, #tpu.memory_space<vmem_shared>> -> memref<128x128xf32, #tpu.memory_space<vmem_shared>>
        %dma_start3A_30 = arith.constant 0 : i32
        %dma_start3A_31 = tpu.memref_slice %arg9[%add3A_28, %dma_start3A_30] : memref<10240x128xf32, #tpu.memory_space<vmem_shared>> -> memref<128x128xf32, #tpu.memory_space<vmem_shared>>
        tpu.enqueue_dma source(%arg8 : memref<128x128xf32, #tpu.memory_space<vmem>>) target(%dma_start3A_31 : memref<128x128xf32, #tpu.memory_space<vmem_shared>>) target_semaphore(%run_scoped3A : memref<!tpu.dma_semaphore, #tpu.memory_space<semaphore_mem>>)
        %dma_wait3A = arith.constant 0 : i32
        %dma_wait3A_32 = tpu.memref_slice %arg9[%add3A_28, %dma_wait3A] : memref<10240x128xf32, #tpu.memory_space<vmem_shared>> -> memref<128x128xf32, #tpu.memory_space<vmem_shared>>
        %dma_wait3A_33 = arith.constant 0 : i32
        %dma_wait3A_34 = tpu.memref_slice %arg9[%add3A_28, %dma_wait3A_33] : memref<10240x128xf32, #tpu.memory_space<vmem_shared>> -> memref<128x128xf32, #tpu.memory_space<vmem_shared>>
        tpu.wait_dma2 semaphore(%run_scoped3A : memref<!tpu.dma_semaphore, #tpu.memory_space<semaphore_mem>>) src(%arg8 : memref<128x128xf32, #tpu.memory_space<vmem>>) dst(%dma_wait3A_34 : memref<128x128xf32, #tpu.memory_space<vmem_shared>>)
        tpu.yield
      }) : () -> ()
    }
    %scan3A_10 = arith.constant 5 : i32
    %barrier3A = arith.constant 0 : index
    tpu.barrier barrier_id(%barrier3A)
    "tpu.region"() ({
      %run_scoped3A = tpu.sem_alloc : memref<!tpu.dma_semaphore, #tpu.memory_space<semaphore_mem>>
      %dma_start3A = arith.constant 0 : i32
      %dma_start3A_23 = arith.constant 0 : i32
      %dma_start3A_24 = tpu.memref_slice %arg3[%arg0, %arg1, %dma_start3A, %dma_start3A_23] : memref<2x16x80x128xi32, #tpu.memory_space<hbm>> -> memref<1x1x80x128xi32, #tpu.memory_space<hbm>>
      %dma_start3A_25 = tpu.memref_squeeze %dma_start3A_24 : memref<1x1x80x128xi32, #tpu.memory_space<hbm>> -> memref<80x128xi32, #tpu.memory_space<hbm>>
      %dma_start3A_26 = arith.constant 0 : i32
      %dma_start3A_27 = arith.constant 0 : i32
      %dma_start3A_28 = tpu.memref_slice %arg3[%arg0, %arg1, %dma_start3A_26, %dma_start3A_27] : memref<2x16x80x128xi32, #tpu.memory_space<hbm>> -> memref<1x1x80x128xi32, #tpu.memory_space<hbm>>
      %dma_start3A_29 = tpu.memref_squeeze %dma_start3A_28 : memref<1x1x80x128xi32, #tpu.memory_space<hbm>> -> memref<80x128xi32, #tpu.memory_space<hbm>>
      tpu.enqueue_dma source(%dma_start3A_29 : memref<80x128xi32, #tpu.memory_space<hbm>>) target(%arg6 : memref<80x128xi32, #tpu.memory_space<vmem>>) target_semaphore(%run_scoped3A : memref<!tpu.dma_semaphore, #tpu.memory_space<semaphore_mem>>)
      %dma_wait3A = arith.constant 0 : i32
      %dma_wait3A_30 = arith.constant 0 : i32
      %dma_wait3A_31 = tpu.memref_slice %arg3[%arg0, %arg1, %dma_wait3A, %dma_wait3A_30] : memref<2x16x80x128xi32, #tpu.memory_space<hbm>> -> memref<1x1x80x128xi32, #tpu.memory_space<hbm>>
      %dma_wait3A_32 = tpu.memref_squeeze %dma_wait3A_31 : memref<1x1x80x128xi32, #tpu.memory_space<hbm>> -> memref<80x128xi32, #tpu.memory_space<hbm>>
      %dma_wait3A_33 = arith.constant 0 : i32
      %dma_wait3A_34 = arith.constant 0 : i32
      %dma_wait3A_35 = tpu.memref_slice %arg3[%arg0, %arg1, %dma_wait3A_33, %dma_wait3A_34] : memref<2x16x80x128xi32, #tpu.memory_space<hbm>> -> memref<1x1x80x128xi32, #tpu.memory_space<hbm>>
      %dma_wait3A_36 = tpu.memref_squeeze %dma_wait3A_35 : memref<1x1x80x128xi32, #tpu.memory_space<hbm>> -> memref<80x128xi32, #tpu.memory_space<hbm>>
      tpu.wait_dma2 semaphore(%run_scoped3A : memref<!tpu.dma_semaphore, #tpu.memory_space<semaphore_mem>>) src(%dma_wait3A_36 : memref<80x128xi32, #tpu.memory_space<hbm>>) dst(%arg6 : memref<80x128xi32, #tpu.memory_space<vmem>>)
      tpu.yield
    }) : () -> ()
    "tpu.region"() ({
      %run_scoped3A = tpu.sem_alloc : memref<!tpu.dma_semaphore, #tpu.memory_space<semaphore_mem>>
      %dma_start3A = arith.constant 0 : i32
      %dma_start3A_23 = arith.constant 0 : i32
      %dma_start3A_24 = tpu.memref_slice %arg4[%arg1, %dma_start3A, %dma_start3A_23] : memref<16x80x128xi32, #tpu.memory_space<hbm>> -> memref<1x80x128xi32, #tpu.memory_space<hbm>>
      %dma_start3A_25 = tpu.memref_squeeze %dma_start3A_24 : memref<1x80x128xi32, #tpu.memory_space<hbm>> -> memref<80x128xi32, #tpu.memory_space<hbm>>
      %dma_start3A_26 = arith.constant 0 : i32
      %dma_start3A_27 = arith.constant 0 : i32
      %dma_start3A_28 = tpu.memref_slice %arg4[%arg1, %dma_start3A_26, %dma_start3A_27] : memref<16x80x128xi32, #tpu.memory_space<hbm>> -> memref<1x80x128xi32, #tpu.memory_space<hbm>>
      %dma_start3A_29 = tpu.memref_squeeze %dma_start3A_28 : memref<1x80x128xi32, #tpu.memory_space<hbm>> -> memref<80x128xi32, #tpu.memory_space<hbm>>
      tpu.enqueue_dma source(%dma_start3A_29 : memref<80x128xi32, #tpu.memory_space<hbm>>) target(%arg7 : memref<80x128xi32, #tpu.memory_space<vmem>>) target_semaphore(%run_scoped3A : memref<!tpu.dma_semaphore, #tpu.memory_space<semaphore_mem>>)
      %dma_wait3A = arith.constant 0 : i32
      %dma_wait3A_30 = arith.constant 0 : i32
      %dma_wait3A_31 = tpu.memref_slice %arg4[%arg1, %dma_wait3A, %dma_wait3A_30] : memref<16x80x128xi32, #tpu.memory_space<hbm>> -> memref<1x80x128xi32, #tpu.memory_space<hbm>>
      %dma_wait3A_32 = tpu.memref_squeeze %dma_wait3A_31 : memref<1x80x128xi32, #tpu.memory_space<hbm>> -> memref<80x128xi32, #tpu.memory_space<hbm>>
      %dma_wait3A_33 = arith.constant 0 : i32
      %dma_wait3A_34 = arith.constant 0 : i32
      %dma_wait3A_35 = tpu.memref_slice %arg4[%arg1, %dma_wait3A_33, %dma_wait3A_34] : memref<16x80x128xi32, #tpu.memory_space<hbm>> -> memref<1x80x128xi32, #tpu.memory_space<hbm>>
      %dma_wait3A_36 = tpu.memref_squeeze %dma_wait3A_35 : memref<1x80x128xi32, #tpu.memory_space<hbm>> -> memref<80x128xi32, #tpu.memory_space<hbm>>
      tpu.wait_dma2 semaphore(%run_scoped3A : memref<!tpu.dma_semaphore, #tpu.memory_space<semaphore_mem>>) src(%dma_wait3A_36 : memref<80x128xi32, #tpu.memory_space<hbm>>) dst(%arg7 : memref<80x128xi32, #tpu.memory_space<vmem>>)
      tpu.yield
    }) : () -> ()
    %scan3A_11 = arith.constant 0 : i32
    %scan3A_12 = arith.constant 0 : i32
    %scan3A_13 = arith.constant 80 : i32
    %scan3A_14 = arith.addi %scan3A_12, %scan3A_13 : i32
    %scan3A_15 = arith.constant 1 : i32
    scf.for %scan3A_23 = %scan3A_12 to %scan3A_14 step %scan3A_15  : i32 {
      "tpu.region"() ({
        %run_scoped3A = tpu.sem_alloc : memref<!tpu.dma_semaphore, #tpu.memory_space<semaphore_mem>>
        %dma_start3A = arith.constant 0 : i32
        %dma_start3A_24 = tpu.memref_slice %arg6[%scan3A_23, %dma_start3A] : memref<80x128xi32, #tpu.memory_space<vmem>> -> memref<1x128xi32, #tpu.memory_space<vmem>>
        %dma_start3A_25 = tpu.memref_squeeze %dma_start3A_24 : memref<1x128xi32, #tpu.memory_space<vmem>> -> memref<128xi32, #tpu.memory_space<vmem>>
        %dma_start3A_26 = arith.constant 0 : i32
        %dma_start3A_27 = arith.constant 0 : i32
        %dma_start3A_28 = tpu.memref_slice %arg2[%dma_start3A_26, %dma_start3A_27] : memref<20480x128xf32, #tpu.memory_space<hbm>> -> memref<20480x128xf32, #tpu.memory_space<hbm>>
        tpu.enqueue_indirect_dma source(%dma_start3A_28 : memref<20480x128xf32, #tpu.memory_space<hbm>>) target(%arg8 : memref<128x128xf32, #tpu.memory_space<vmem>>) offsets(%dma_start3A_25 : memref<128xi32, #tpu.memory_space<vmem>>) semaphore(%run_scoped3A : memref<!tpu.dma_semaphore, #tpu.memory_space<semaphore_mem>>)
        %dma_wait3A = arith.constant 0 : i32
        %dma_wait3A_29 = tpu.memref_slice %arg6[%scan3A_23, %dma_wait3A] : memref<80x128xi32, #tpu.memory_space<vmem>> -> memref<1x128xi32, #tpu.memory_space<vmem>>
        %dma_wait3A_30 = tpu.memref_squeeze %dma_wait3A_29 : memref<1x128xi32, #tpu.memory_space<vmem>> -> memref<128xi32, #tpu.memory_space<vmem>>
        %dma_wait3A_31 = arith.constant 0 : i32
        %dma_wait3A_32 = arith.constant 0 : i32
        %dma_wait3A_33 = tpu.memref_slice %arg2[%dma_wait3A_31, %dma_wait3A_32] : memref<20480x128xf32, #tpu.memory_space<hbm>> -> memref<20480x128xf32, #tpu.memory_space<hbm>>
        tpu.wait_indirect_dma semaphore(%run_scoped3A : memref<!tpu.dma_semaphore, #tpu.memory_space<semaphore_mem>>) src(%dma_wait3A_33 : memref<20480x128xf32, #tpu.memory_space<hbm>>) dst(%arg8 : memref<128x128xf32, #tpu.memory_space<vmem>>)
        tpu.yield
      }) : () -> ()
      "tpu.region"() ({
        %run_scoped3A = tpu.sem_alloc : memref<!tpu.dma_semaphore, #tpu.memory_space<semaphore_mem>>
        %dma_start3A = arith.constant 0 : i32
        %dma_start3A_24 = tpu.memref_slice %arg7[%scan3A_23, %dma_start3A] : memref<80x128xi32, #tpu.memory_space<vmem>> -> memref<1x128xi32, #tpu.memory_space<vmem>>
        %dma_start3A_25 = tpu.memref_squeeze %dma_start3A_24 : memref<1x128xi32, #tpu.memory_space<vmem>> -> memref<128xi32, #tpu.memory_space<vmem>>
        %dma_start3A_26 = arith.constant 0 : i32
        %dma_start3A_27 = arith.constant 0 : i32
        %dma_start3A_28 = tpu.memref_slice %arg9[%dma_start3A_26, %dma_start3A_27] : memref<10240x128xf32, #tpu.memory_space<vmem_shared>> -> memref<10240x128xf32, #tpu.memory_space<vmem_shared>>
        tpu.enqueue_indirect_dma source(%arg8 : memref<128x128xf32, #tpu.memory_space<vmem>>) target(%dma_start3A_28 : memref<10240x128xf32, #tpu.memory_space<vmem_shared>>) offsets(%dma_start3A_25 : memref<128xi32, #tpu.memory_space<vmem>>) semaphore(%run_scoped3A : memref<!tpu.dma_semaphore, #tpu.memory_space<semaphore_mem>>) {add = true}
        %dma_wait3A = arith.constant 0 : i32
        %dma_wait3A_29 = tpu.memref_slice %arg7[%scan3A_23, %dma_wait3A] : memref<80x128xi32, #tpu.memory_space<vmem>> -> memref<1x128xi32, #tpu.memory_space<vmem>>
        %dma_wait3A_30 = tpu.memref_squeeze %dma_wait3A_29 : memref<1x128xi32, #tpu.memory_space<vmem>> -> memref<128xi32, #tpu.memory_space<vmem>>
        %dma_wait3A_31 = arith.constant 0 : i32
        %dma_wait3A_32 = arith.constant 0 : i32
        %dma_wait3A_33 = tpu.memref_slice %arg9[%dma_wait3A_31, %dma_wait3A_32] : memref<10240x128xf32, #tpu.memory_space<vmem_shared>> -> memref<10240x128xf32, #tpu.memory_space<vmem_shared>>
        tpu.wait_indirect_dma semaphore(%run_scoped3A : memref<!tpu.dma_semaphore, #tpu.memory_space<semaphore_mem>>) src(%arg8 : memref<128x128xf32, #tpu.memory_space<vmem>>) dst(%dma_wait3A_33 : memref<10240x128xf32, #tpu.memory_space<vmem_shared>>)
        tpu.yield
      }) : () -> ()
    }
    %scan3A_16 = arith.constant 80 : i32
    %barrier3A_17 = arith.constant 0 : index
    tpu.barrier barrier_id(%barrier3A_17)
    %mul3A = arith.constant 640 : i32
    %mul3A_18 = arith.muli %arg1, %mul3A : i32
    %mul3A_19 = arith.constant 10240 : i32
    %mul3A_20 = arith.muli %arg0, %mul3A_19 : i32
    %mul3A_21 = arith.constant 640 : i32
    %mul3A_22 = arith.muli %arg1, %mul3A_21 : i32
    %add3A = arith.addi %mul3A_20, %mul3A_22 : i32
    "tpu.region"() ({
      %run_scoped3A = tpu.sem_alloc : memref<!tpu.dma_semaphore, #tpu.memory_space<semaphore_mem>>
      %dma_start3A = arith.constant 0 : i32
      %dma_start3A_23 = tpu.memref_slice %arg5[%add3A, %dma_start3A] : memref<20480x128xf32, #tpu.memory_space<hbm>> -> memref<640x128xf32, #tpu.memory_space<hbm>>
      %dma_start3A_24 = arith.constant 0 : i32
      %dma_start3A_25 = tpu.memref_slice %arg9[%mul3A_18, %dma_start3A_24] : memref<10240x128xf32, #tpu.memory_space<vmem_shared>> -> memref<640x128xf32, #tpu.memory_space<vmem_shared>>
      tpu.enqueue_dma source(%dma_start3A_25 : memref<640x128xf32, #tpu.memory_space<vmem_shared>>) target(%dma_start3A_23 : memref<640x128xf32, #tpu.memory_space<hbm>>) target_semaphore(%run_scoped3A : memref<!tpu.dma_semaphore, #tpu.memory_space<semaphore_mem>>)
      %dma_wait3A = arith.constant 0 : i32
      %dma_wait3A_26 = tpu.memref_slice %arg5[%add3A, %dma_wait3A] : memref<20480x128xf32, #tpu.memory_space<hbm>> -> memref<640x128xf32, #tpu.memory_space<hbm>>
      %dma_wait3A_27 = arith.constant 0 : i32
      %dma_wait3A_28 = tpu.memref_slice %arg9[%mul3A_18, %dma_wait3A_27] : memref<10240x128xf32, #tpu.memory_space<vmem_shared>> -> memref<640x128xf32, #tpu.memory_space<vmem_shared>>
      tpu.wait_dma2 semaphore(%run_scoped3A : memref<!tpu.dma_semaphore, #tpu.memory_space<semaphore_mem>>) src(%dma_wait3A_28 : memref<640x128xf32, #tpu.memory_space<vmem_shared>>) dst(%dma_wait3A_26 : memref<640x128xf32, #tpu.memory_space<hbm>>)
      tpu.yield
    }) : () -> ()
    return
  }
}

#map = affine_map<(d0, d1) -> (0, 0, 0, 0)>
#map1 = affine_map<(d0, d1) -> (0, 0)>
module attributes {stable_mosaic.version = 14 : i64} {
  func.func @_deg_body(%arg0: i32, %arg1: i32, %arg2: memref<2x16x40x128xi32, #tpu.memory_space<hbm>>, %arg3: memref<2x10240xf32, #tpu.memory_space<hbm>>, %arg4: memref<40x128xi32, #tpu.memory_space<vmem>>, %arg5: memref<128xf32, #tpu.memory_space<vmem>>, %arg6: memref<640xf32, #tpu.memory_space<vmem>>, %arg7: memref<10240xf32, #tpu.memory_space<vmem_shared>>) attributes {dimension_semantics = [#tpu.dimension_semantics<core_parallel>, #tpu.dimension_semantics<subcore_parallel>], iteration_bounds = array<i64: 2, 16>, scalar_prefetch = 0 : i64, scratch_operands = 4 : i64, tpu.core_type = #tpu.core_type<sc_vector_subcore>, window_params = [{transform_indices = #map}, {transform_indices = #map1}]} {
    %scan3A = arith.constant 0 : i32
    %scan3A_0 = arith.constant 0 : i32
    %scan3A_1 = arith.constant 40 : i32
    %scan3A_2 = arith.addi %scan3A_0, %scan3A_1 : i32
    %scan3A_3 = arith.constant 1 : i32
    scf.for %scan3A_63 = %scan3A_0 to %scan3A_2 step %scan3A_3  : i32 {
      %broadcast_in_dim3A_64 = arith.constant 0.000000e+00 : f32
      %broadcast_in_dim3A_65 = vector.broadcast %broadcast_in_dim3A_64 : f32 to vector<16xf32>
      %mul3A_66 = arith.constant 16 : i32
      %mul3A_67 = arith.muli %scan3A_63, %mul3A_66 : i32
      %swap3A_68 = arith.index_cast %mul3A_67 : i32 to index
      %swap3A_69 = tpu.vector_load %arg6[%swap3A_68] {strides = array<i32>} : memref<640xf32, #tpu.memory_space<vmem>>, vector<16xf32>,
      %swap3A_70 = vector.shape_cast %swap3A_69 : vector<16xf32> to vector<16xf32>
      %swap3A_71 = vector.shape_cast %broadcast_in_dim3A_65 : vector<16xf32> to vector<16xf32>
      tpu.vector_store %arg6[%swap3A_68], %swap3A_71 {strides = array<i32>} : memref<640xf32, #tpu.memory_space<vmem>>, vector<16xf32>,
    }
    %scan3A_4 = arith.constant 40 : i32
    %broadcast_in_dim3A = arith.constant 1.000000e+00 : f32
    %broadcast_in_dim3A_5 = vector.broadcast %broadcast_in_dim3A : f32 to vector<16xf32>
    %swap3A = arith.constant 0 : index
    %swap3A_6 = tpu.vector_load %arg5[%swap3A] {strides = array<i32>} : memref<128xf32, #tpu.memory_space<vmem>>, vector<16xf32>,
    %swap3A_7 = vector.shape_cast %swap3A_6 : vector<16xf32> to vector<16xf32>
    %swap3A_8 = vector.shape_cast %broadcast_in_dim3A_5 : vector<16xf32> to vector<16xf32>
    tpu.vector_store %arg5[%swap3A], %swap3A_8 {strides = array<i32>} : memref<128xf32, #tpu.memory_space<vmem>>, vector<16xf32>,
    %broadcast_in_dim3A_9 = arith.constant 1.000000e+00 : f32
    %broadcast_in_dim3A_10 = vector.broadcast %broadcast_in_dim3A_9 : f32 to vector<16xf32>
    %swap3A_11 = arith.constant 16 : index
    %swap3A_12 = tpu.vector_load %arg5[%swap3A_11] {strides = array<i32>} : memref<128xf32, #tpu.memory_space<vmem>>, vector<16xf32>,
    %swap3A_13 = vector.shape_cast %swap3A_12 : vector<16xf32> to vector<16xf32>
    %swap3A_14 = vector.shape_cast %broadcast_in_dim3A_10 : vector<16xf32> to vector<16xf32>
    tpu.vector_store %arg5[%swap3A_11], %swap3A_14 {strides = array<i32>} : memref<128xf32, #tpu.memory_space<vmem>>, vector<16xf32>,
    %broadcast_in_dim3A_15 = arith.constant 1.000000e+00 : f32
    %broadcast_in_dim3A_16 = vector.broadcast %broadcast_in_dim3A_15 : f32 to vector<16xf32>
    %swap3A_17 = arith.constant 32 : index
    %swap3A_18 = tpu.vector_load %arg5[%swap3A_17] {strides = array<i32>} : memref<128xf32, #tpu.memory_space<vmem>>, vector<16xf32>,
    %swap3A_19 = vector.shape_cast %swap3A_18 : vector<16xf32> to vector<16xf32>
    %swap3A_20 = vector.shape_cast %broadcast_in_dim3A_16 : vector<16xf32> to vector<16xf32>
    tpu.vector_store %arg5[%swap3A_17], %swap3A_20 {strides = array<i32>} : memref<128xf32, #tpu.memory_space<vmem>>, vector<16xf32>,
    %broadcast_in_dim3A_21 = arith.constant 1.000000e+00 : f32
    %broadcast_in_dim3A_22 = vector.broadcast %broadcast_in_dim3A_21 : f32 to vector<16xf32>
    %swap3A_23 = arith.constant 48 : index
    %swap3A_24 = tpu.vector_load %arg5[%swap3A_23] {strides = array<i32>} : memref<128xf32, #tpu.memory_space<vmem>>, vector<16xf32>,
    %swap3A_25 = vector.shape_cast %swap3A_24 : vector<16xf32> to vector<16xf32>
    %swap3A_26 = vector.shape_cast %broadcast_in_dim3A_22 : vector<16xf32> to vector<16xf32>
    tpu.vector_store %arg5[%swap3A_23], %swap3A_26 {strides = array<i32>} : memref<128xf32, #tpu.memory_space<vmem>>, vector<16xf32>,
    %broadcast_in_dim3A_27 = arith.constant 1.000000e+00 : f32
    %broadcast_in_dim3A_28 = vector.broadcast %broadcast_in_dim3A_27 : f32 to vector<16xf32>
    %swap3A_29 = arith.constant 64 : index
    %swap3A_30 = tpu.vector_load %arg5[%swap3A_29] {strides = array<i32>} : memref<128xf32, #tpu.memory_space<vmem>>, vector<16xf32>,
    %swap3A_31 = vector.shape_cast %swap3A_30 : vector<16xf32> to vector<16xf32>
    %swap3A_32 = vector.shape_cast %broadcast_in_dim3A_28 : vector<16xf32> to vector<16xf32>
    tpu.vector_store %arg5[%swap3A_29], %swap3A_32 {strides = array<i32>} : memref<128xf32, #tpu.memory_space<vmem>>, vector<16xf32>,
    %broadcast_in_dim3A_33 = arith.constant 1.000000e+00 : f32
    %broadcast_in_dim3A_34 = vector.broadcast %broadcast_in_dim3A_33 : f32 to vector<16xf32>
    %swap3A_35 = arith.constant 80 : index
    %swap3A_36 = tpu.vector_load %arg5[%swap3A_35] {strides = array<i32>} : memref<128xf32, #tpu.memory_space<vmem>>, vector<16xf32>,
    %swap3A_37 = vector.shape_cast %swap3A_36 : vector<16xf32> to vector<16xf32>
    %swap3A_38 = vector.shape_cast %broadcast_in_dim3A_34 : vector<16xf32> to vector<16xf32>
    tpu.vector_store %arg5[%swap3A_35], %swap3A_38 {strides = array<i32>} : memref<128xf32, #tpu.memory_space<vmem>>, vector<16xf32>,
    %broadcast_in_dim3A_39 = arith.constant 1.000000e+00 : f32
    %broadcast_in_dim3A_40 = vector.broadcast %broadcast_in_dim3A_39 : f32 to vector<16xf32>
    %swap3A_41 = arith.constant 96 : index
    %swap3A_42 = tpu.vector_load %arg5[%swap3A_41] {strides = array<i32>} : memref<128xf32, #tpu.memory_space<vmem>>, vector<16xf32>,
    %swap3A_43 = vector.shape_cast %swap3A_42 : vector<16xf32> to vector<16xf32>
    %swap3A_44 = vector.shape_cast %broadcast_in_dim3A_40 : vector<16xf32> to vector<16xf32>
    tpu.vector_store %arg5[%swap3A_41], %swap3A_44 {strides = array<i32>} : memref<128xf32, #tpu.memory_space<vmem>>, vector<16xf32>,
    %broadcast_in_dim3A_45 = arith.constant 1.000000e+00 : f32
    %broadcast_in_dim3A_46 = vector.broadcast %broadcast_in_dim3A_45 : f32 to vector<16xf32>
    %swap3A_47 = arith.constant 112 : index
    %swap3A_48 = tpu.vector_load %arg5[%swap3A_47] {strides = array<i32>} : memref<128xf32, #tpu.memory_space<vmem>>, vector<16xf32>,
    %swap3A_49 = vector.shape_cast %swap3A_48 : vector<16xf32> to vector<16xf32>
    %swap3A_50 = vector.shape_cast %broadcast_in_dim3A_46 : vector<16xf32> to vector<16xf32>
    tpu.vector_store %arg5[%swap3A_47], %swap3A_50 {strides = array<i32>} : memref<128xf32, #tpu.memory_space<vmem>>, vector<16xf32>,
    %mul3A = arith.constant 640 : i32
    %mul3A_51 = arith.muli %arg1, %mul3A : i32
    "tpu.region"() ({
      %run_scoped3A = tpu.sem_alloc : memref<!tpu.dma_semaphore, #tpu.memory_space<semaphore_mem>>
      %dma_start3A = tpu.memref_slice %arg7[%mul3A_51] : memref<10240xf32, #tpu.memory_space<vmem_shared>> -> memref<640xf32, #tpu.memory_space<vmem_shared>>
      %dma_start3A_63 = tpu.memref_slice %arg7[%mul3A_51] : memref<10240xf32, #tpu.memory_space<vmem_shared>> -> memref<640xf32, #tpu.memory_space<vmem_shared>>
      tpu.enqueue_dma source(%arg6 : memref<640xf32, #tpu.memory_space<vmem>>) target(%dma_start3A_63 : memref<640xf32, #tpu.memory_space<vmem_shared>>) target_semaphore(%run_scoped3A : memref<!tpu.dma_semaphore, #tpu.memory_space<semaphore_mem>>)
      %dma_wait3A = tpu.memref_slice %arg7[%mul3A_51] : memref<10240xf32, #tpu.memory_space<vmem_shared>> -> memref<640xf32, #tpu.memory_space<vmem_shared>>
      %dma_wait3A_64 = tpu.memref_slice %arg7[%mul3A_51] : memref<10240xf32, #tpu.memory_space<vmem_shared>> -> memref<640xf32, #tpu.memory_space<vmem_shared>>
      tpu.wait_dma2 semaphore(%run_scoped3A : memref<!tpu.dma_semaphore, #tpu.memory_space<semaphore_mem>>) src(%arg6 : memref<640xf32, #tpu.memory_space<vmem>>) dst(%dma_wait3A_64 : memref<640xf32, #tpu.memory_space<vmem_shared>>)
      tpu.yield
    }) : () -> ()
    %barrier3A = arith.constant 0 : index
    tpu.barrier barrier_id(%barrier3A)
    "tpu.region"() ({
      %run_scoped3A = tpu.sem_alloc : memref<!tpu.dma_semaphore, #tpu.memory_space<semaphore_mem>>
      %dma_start3A = arith.constant 0 : i32
      %dma_start3A_63 = arith.constant 0 : i32
      %dma_start3A_64 = tpu.memref_slice %arg2[%arg0, %arg1, %dma_start3A, %dma_start3A_63] : memref<2x16x40x128xi32, #tpu.memory_space<hbm>> -> memref<1x1x40x128xi32, #tpu.memory_space<hbm>>
      %dma_start3A_65 = tpu.memref_squeeze %dma_start3A_64 : memref<1x1x40x128xi32, #tpu.memory_space<hbm>> -> memref<40x128xi32, #tpu.memory_space<hbm>>
      %dma_start3A_66 = arith.constant 0 : i32
      %dma_start3A_67 = arith.constant 0 : i32
      %dma_start3A_68 = tpu.memref_slice %arg2[%arg0, %arg1, %dma_start3A_66, %dma_start3A_67] : memref<2x16x40x128xi32, #tpu.memory_space<hbm>> -> memref<1x1x40x128xi32, #tpu.memory_space<hbm>>
      %dma_start3A_69 = tpu.memref_squeeze %dma_start3A_68 : memref<1x1x40x128xi32, #tpu.memory_space<hbm>> -> memref<40x128xi32, #tpu.memory_space<hbm>>
      tpu.enqueue_dma source(%dma_start3A_69 : memref<40x128xi32, #tpu.memory_space<hbm>>) target(%arg4 : memref<40x128xi32, #tpu.memory_space<vmem>>) target_semaphore(%run_scoped3A : memref<!tpu.dma_semaphore, #tpu.memory_space<semaphore_mem>>)
      %dma_wait3A = arith.constant 0 : i32
      %dma_wait3A_70 = arith.constant 0 : i32
      %dma_wait3A_71 = tpu.memref_slice %arg2[%arg0, %arg1, %dma_wait3A, %dma_wait3A_70] : memref<2x16x40x128xi32, #tpu.memory_space<hbm>> -> memref<1x1x40x128xi32, #tpu.memory_space<hbm>>
      %dma_wait3A_72 = tpu.memref_squeeze %dma_wait3A_71 : memref<1x1x40x128xi32, #tpu.memory_space<hbm>> -> memref<40x128xi32, #tpu.memory_space<hbm>>
      %dma_wait3A_73 = arith.constant 0 : i32
      %dma_wait3A_74 = arith.constant 0 : i32
      %dma_wait3A_75 = tpu.memref_slice %arg2[%arg0, %arg1, %dma_wait3A_73, %dma_wait3A_74] : memref<2x16x40x128xi32, #tpu.memory_space<hbm>> -> memref<1x1x40x128xi32, #tpu.memory_space<hbm>>
      %dma_wait3A_76 = tpu.memref_squeeze %dma_wait3A_75 : memref<1x1x40x128xi32, #tpu.memory_space<hbm>> -> memref<40x128xi32, #tpu.memory_space<hbm>>
      tpu.wait_dma2 semaphore(%run_scoped3A : memref<!tpu.dma_semaphore, #tpu.memory_space<semaphore_mem>>) src(%dma_wait3A_76 : memref<40x128xi32, #tpu.memory_space<hbm>>) dst(%arg4 : memref<40x128xi32, #tpu.memory_space<vmem>>)
      tpu.yield
    }) : () -> ()
    %scan3A_52 = arith.constant 0 : i32
    %scan3A_53 = arith.constant 0 : i32
    %scan3A_54 = arith.constant 40 : i32
    %scan3A_55 = arith.addi %scan3A_53, %scan3A_54 : i32
    %scan3A_56 = arith.constant 1 : i32
    scf.for %scan3A_63 = %scan3A_53 to %scan3A_55 step %scan3A_56  : i32 {
      "tpu.region"() ({
        %run_scoped3A = tpu.sem_alloc : memref<!tpu.dma_semaphore, #tpu.memory_space<semaphore_mem>>
        %dma_start3A = arith.constant 0 : i32
        %dma_start3A_64 = tpu.memref_slice %arg4[%scan3A_63, %dma_start3A] : memref<40x128xi32, #tpu.memory_space<vmem>> -> memref<1x128xi32, #tpu.memory_space<vmem>>
        %dma_start3A_65 = tpu.memref_squeeze %dma_start3A_64 : memref<1x128xi32, #tpu.memory_space<vmem>> -> memref<128xi32, #tpu.memory_space<vmem>>
        %dma_start3A_66 = arith.constant 0 : i32
        %dma_start3A_67 = tpu.memref_slice %arg7[%dma_start3A_66] : memref<10240xf32, #tpu.memory_space<vmem_shared>> -> memref<10240xf32, #tpu.memory_space<vmem_shared>>
        tpu.enqueue_indirect_dma source(%arg5 : memref<128xf32, #tpu.memory_space<vmem>>) target(%dma_start3A_67 : memref<10240xf32, #tpu.memory_space<vmem_shared>>) offsets(%dma_start3A_65 : memref<128xi32, #tpu.memory_space<vmem>>) semaphore(%run_scoped3A : memref<!tpu.dma_semaphore, #tpu.memory_space<semaphore_mem>>) {add = true}
        %dma_wait3A = arith.constant 0 : i32
        %dma_wait3A_68 = tpu.memref_slice %arg4[%scan3A_63, %dma_wait3A] : memref<40x128xi32, #tpu.memory_space<vmem>> -> memref<1x128xi32, #tpu.memory_space<vmem>>
        %dma_wait3A_69 = tpu.memref_squeeze %dma_wait3A_68 : memref<1x128xi32, #tpu.memory_space<vmem>> -> memref<128xi32, #tpu.memory_space<vmem>>
        %dma_wait3A_70 = arith.constant 0 : i32
        %dma_wait3A_71 = tpu.memref_slice %arg7[%dma_wait3A_70] : memref<10240xf32, #tpu.memory_space<vmem_shared>> -> memref<10240xf32, #tpu.memory_space<vmem_shared>>
        tpu.wait_indirect_dma semaphore(%run_scoped3A : memref<!tpu.dma_semaphore, #tpu.memory_space<semaphore_mem>>) src(%arg5 : memref<128xf32, #tpu.memory_space<vmem>>) dst(%dma_wait3A_71 : memref<10240xf32, #tpu.memory_space<vmem_shared>>)
        tpu.yield
      }) : () -> ()
    }
    %scan3A_57 = arith.constant 40 : i32
    %barrier3A_58 = arith.constant 0 : index
    tpu.barrier barrier_id(%barrier3A_58)
    %mul3A_59 = arith.constant 640 : i32
    %mul3A_60 = arith.muli %arg1, %mul3A_59 : i32
    %mul3A_61 = arith.constant 640 : i32
    %mul3A_62 = arith.muli %arg1, %mul3A_61 : i32
    "tpu.region"() ({
      %run_scoped3A = tpu.sem_alloc : memref<!tpu.dma_semaphore, #tpu.memory_space<semaphore_mem>>
      %dma_start3A = tpu.memref_slice %arg3[%arg0, %mul3A_62] : memref<2x10240xf32, #tpu.memory_space<hbm>> -> memref<1x640xf32, #tpu.memory_space<hbm>>
      %dma_start3A_63 = tpu.memref_squeeze %dma_start3A : memref<1x640xf32, #tpu.memory_space<hbm>> -> memref<640xf32, #tpu.memory_space<hbm>>
      %dma_start3A_64 = tpu.memref_slice %arg7[%mul3A_60] : memref<10240xf32, #tpu.memory_space<vmem_shared>> -> memref<640xf32, #tpu.memory_space<vmem_shared>>
      tpu.enqueue_dma source(%dma_start3A_64 : memref<640xf32, #tpu.memory_space<vmem_shared>>) target(%dma_start3A_63 : memref<640xf32, #tpu.memory_space<hbm>>) target_semaphore(%run_scoped3A : memref<!tpu.dma_semaphore, #tpu.memory_space<semaphore_mem>>)
      %dma_wait3A = tpu.memref_slice %arg3[%arg0, %mul3A_62] : memref<2x10240xf32, #tpu.memory_space<hbm>> -> memref<1x640xf32, #tpu.memory_space<hbm>>
      %dma_wait3A_65 = tpu.memref_squeeze %dma_wait3A : memref<1x640xf32, #tpu.memory_space<hbm>> -> memref<640xf32, #tpu.memory_space<hbm>>
      %dma_wait3A_66 = tpu.memref_slice %arg7[%mul3A_60] : memref<10240xf32, #tpu.memory_space<vmem_shared>> -> memref<640xf32, #tpu.memory_space<vmem_shared>>
      tpu.wait_dma2 semaphore(%run_scoped3A : memref<!tpu.dma_semaphore, #tpu.memory_space<semaphore_mem>>) src(%dma_wait3A_66 : memref<640xf32, #tpu.memory_space<vmem_shared>>) dst(%dma_wait3A_65 : memref<640xf32, #tpu.memory_space<hbm>>)
      tpu.yield
    }) : () -> ()
    return
  }
}

module attributes {stable_mosaic.version = 14 : i64} {
  func.func @_norm_body(%arg0: i32, %arg1: memref<2x10240xf32, #tpu.memory_space<vmem>>, %arg2: memref<1x10240xf32, #tpu.memory_space<vmem>>) attributes {dimension_semantics = [#tpu.dimension_semantics<arbitrary>], iteration_bounds = array<i64: 1>, scalar_prefetch = 0 : i64, scratch_operands = 0 : i64, tpu.core_type = #tpu.core_type<tc>, window_params = [{pipeline_mode = #tpu.pipeline_mode<synchronous>, transform_indices = @transform_0, window_bounds = array<i64: 2, 10240>}, {pipeline_mode = #tpu.pipeline_mode<synchronous>, transform_indices = @transform_1, window_bounds = array<i64: 1, 10240>}]} {
    %get3A = arith.constant 0 : index
    %get3A_0 = arith.constant 0 : index
    %get3A_1 = vector.load %arg1[%get3A, %get3A_0] : memref<2x10240xf32, #tpu.memory_space<vmem>>, vector<1x10240xf32>
    %get3A_2 = arith.constant 1 : index
    %get3A_3 = arith.constant 0 : index
    %get3A_4 = vector.load %arg1[%get3A_2, %get3A_3] : memref<2x10240xf32, #tpu.memory_space<vmem>>, vector<1x10240xf32>
    %add3A = arith.addf %get3A_1, %get3A_4 : vector<1x10240xf32>
    %gt3A = arith.constant 0.000000e+00 : f32
    %gt3A_5 = vector.broadcast %gt3A : f32 to vector<1x10240xf32>
    %gt3A_6 = arith.cmpf ogt, %add3A, %gt3A_5 : vector<1x10240xf32>
    %rsqrt3A = math.rsqrt %add3A : vector<1x10240xf32>
    %jit3A = arith.constant 0.000000e+00 : f32
    %broadcast_in_dim3A = vector.broadcast %jit3A : f32 to vector<1x10240xf32>
    %select_n3A = arith.select %gt3A_6, %rsqrt3A, %broadcast_in_dim3A : vector<1x10240xi1>, vector<1x10240xf32>
    %swap3A = arith.constant 0 : index
    %swap3A_7 = arith.constant 0 : index
    %swap3A_8 = vector.load %arg2[%swap3A, %swap3A_7] : memref<1x10240xf32, #tpu.memory_space<vmem>>, vector<1x10240xf32>
    tpu.vector_store %arg2[%swap3A, %swap3A_7], %select_n3A {strides = array<i32>} : memref<1x10240xf32, #tpu.memory_space<vmem>>, vector<1x10240xf32>,
    return
  }
  func.func @transform_0(%arg0: i32) -> (i32, i32) {
    %c0_i32 = arith.constant 0 : i32
    %c0_i32_0 = arith.constant 0 : i32
    %c0_i32_1 = arith.constant 0 : i32
    return %c0_i32, %c0_i32_0 : i32, i32
  }
  func.func @transform_1(%arg0: i32) -> (i32, i32) {
    %c0_i32 = arith.constant 0 : i32
    %c0_i32_0 = arith.constant 0 : i32
    %c0_i32_1 = arith.constant 0 : i32
    return %c0_i32, %c0_i32_0 : i32, i32
  }
}

module attributes {stable_mosaic.version = 14 : i64} {
  func.func @_scale_body(%arg0: i32, %arg1: i32, %arg2: memref<1024x128xf32, #tpu.memory_space<vmem>>, %arg3: memref<1024x1xf32, #tpu.memory_space<vmem>>, %arg4: memref<1024x128xf32, #tpu.memory_space<vmem>>) attributes {dimension_semantics = [#tpu.dimension_semantics<arbitrary>, #tpu.dimension_semantics<arbitrary>], iteration_bounds = array<i64: 2, 10>, scalar_prefetch = 0 : i64, scratch_operands = 0 : i64, tpu.core_type = #tpu.core_type<tc>, window_params = [{transform_indices = @transform_0, window_bounds = array<i64: 1024, 128>}, {transform_indices = @transform_1, window_bounds = array<i64: 1024, 1>}, {transform_indices = @transform_2, window_bounds = array<i64: 1024, 128>}]} {
    %get3A = arith.constant 0 : index
    %get3A_0 = arith.constant 0 : index
    %get3A_1 = vector.load %arg2[%get3A, %get3A_0] : memref<1024x128xf32, #tpu.memory_space<vmem>>, vector<1024x128xf32>
    %get3A_2 = arith.constant 0 : index
    %get3A_3 = arith.constant 0 : index
    %get3A_4 = vector.load %arg3[%get3A_2, %get3A_3] : memref<1024x1xf32, #tpu.memory_space<vmem>>, vector<1024x1xf32>
    %mul3A = vector.broadcast %get3A_4 : vector<1024x1xf32> to vector<1024x128xf32>
    %mul3A_5 = arith.mulf %get3A_1, %mul3A : vector<1024x128xf32>
    %swap3A = arith.constant 0 : index
    %swap3A_6 = arith.constant 0 : index
    %swap3A_7 = vector.load %arg4[%swap3A, %swap3A_6] : memref<1024x128xf32, #tpu.memory_space<vmem>>, vector<1024x128xf32>
    tpu.vector_store %arg4[%swap3A, %swap3A_6], %mul3A_5 {strides = array<i32>} : memref<1024x128xf32, #tpu.memory_space<vmem>>, vector<1024x128xf32>,
    return
  }
  func.func @transform_0(%arg0: i32, %arg1: i32) -> (i32, i32) {
    %c0_i32 = arith.constant 0 : i32
    return %arg1, %arg0 : i32, i32
  }
  func.func @transform_1(%arg0: i32, %arg1: i32) -> (i32, i32) {
    %c0_i32 = arith.constant 0 : i32
    %c0_i32_0 = arith.constant 0 : i32
    return %arg1, %c0_i32 : i32, i32
  }
  func.func @transform_2(%arg0: i32, %arg1: i32) -> (i32, i32) {
    %mul3A = arith.constant 10 : i32
    %mul3A_0 = arith.muli %arg0, %mul3A : i32
    %add3A = arith.addi %mul3A_0, %arg1 : i32
    %c0_i32 = arith.constant 0 : i32
    %c0_i32_1 = arith.constant 0 : i32
    return %add3A, %c0_i32 : i32, i32
  }
}

module attributes {stable_mosaic.version = 14 : i64} {
  func.func @_final_body(%arg0: i32, %arg1: memref<1024x128xf32, #tpu.memory_space<vmem>>, %arg2: memref<1024x128xf32, #tpu.memory_space<vmem>>, %arg3: memref<1024x1xf32, #tpu.memory_space<vmem>>, %arg4: memref<256x256xf32, #tpu.memory_space<vmem>>, %arg5: memref<1x256xf32, #tpu.memory_space<vmem>>, %arg6: memref<1024x256xf32, #tpu.memory_space<vmem>>) attributes {dimension_semantics = [#tpu.dimension_semantics<arbitrary>], iteration_bounds = array<i64: 10>, scalar_prefetch = 0 : i64, scratch_operands = 0 : i64, tpu.core_type = #tpu.core_type<tc>, window_params = [{transform_indices = @transform_0, window_bounds = array<i64: 1024, 128>}, {transform_indices = @transform_1, window_bounds = array<i64: 1024, 128>}, {transform_indices = @transform_2, window_bounds = array<i64: 1024, 1>}, {pipeline_mode = #tpu.pipeline_mode<synchronous>, transform_indices = @transform_3, window_bounds = array<i64: 256, 256>}, {pipeline_mode = #tpu.pipeline_mode<synchronous>, transform_indices = @transform_4, window_bounds = array<i64: 1, 256>}, {transform_indices = @transform_5, window_bounds = array<i64: 1024, 256>}]} {
    %get3A = arith.constant 0 : index
    %get3A_0 = arith.constant 0 : index
    %get3A_1 = vector.load %arg1[%get3A, %get3A_0] : memref<1024x128xf32, #tpu.memory_space<vmem>>, vector<1024x128xf32>
    %get3A_2 = arith.constant 0 : index
    %get3A_3 = arith.constant 0 : index
    %get3A_4 = vector.load %arg2[%get3A_2, %get3A_3] : memref<1024x128xf32, #tpu.memory_space<vmem>>, vector<1024x128xf32>
    %concatenate3A = tpu.concatenate %get3A_1, %get3A_4 in 1 : vector<1024x128xf32>, vector<1024x128xf32> -> vector<1024x256xf32>
    %get3A_5 = arith.constant 0 : index
    %get3A_6 = arith.constant 0 : index
    %get3A_7 = vector.load %arg3[%get3A_5, %get3A_6] : memref<1024x1xf32, #tpu.memory_space<vmem>>, vector<1024x1xf32>
    %mul3A = vector.broadcast %get3A_7 : vector<1024x1xf32> to vector<1024x256xf32>
    %mul3A_8 = arith.mulf %concatenate3A, %mul3A : vector<1024x256xf32>
    %get3A_9 = arith.constant 0 : index
    %get3A_10 = arith.constant 0 : index
    %get3A_11 = vector.load %arg4[%get3A_9, %get3A_10] : memref<256x256xf32, #tpu.memory_space<vmem>>, vector<256x256xf32>
    %dot_general3A = arith.constant dense<0.000000e+00> : vector<1024x256xf32>
    %dot_general3A_12 = tpu.matmul %mul3A_8, %get3A_11, %dot_general3A {dimension_numbers = #tpu.dot_dimension_numbers<[1], [1], [0], [0], [0, 0, 1, 0], [], []>, transpose_lhs_hint = false} : vector<1024x256xf32>, vector<256x256xf32>, vector<1024x256xf32> -> vector<1024x256xf32>
    %get3A_13 = arith.constant 0 : index
    %get3A_14 = arith.constant 0 : index
    %get3A_15 = vector.load %arg5[%get3A_13, %get3A_14] : memref<1x256xf32, #tpu.memory_space<vmem>>, vector<1x256xf32>
    %add3A = vector.broadcast %get3A_15 : vector<1x256xf32> to vector<1024x256xf32>
    %add3A_16 = arith.addf %dot_general3A_12, %add3A : vector<1024x256xf32>
    %swap3A = arith.constant 0 : index
    %swap3A_17 = arith.constant 0 : index
    %swap3A_18 = vector.load %arg6[%swap3A, %swap3A_17] : memref<1024x256xf32, #tpu.memory_space<vmem>>, vector<1024x256xf32>
    tpu.vector_store %arg6[%swap3A, %swap3A_17], %add3A_16 {strides = array<i32>} : memref<1024x256xf32, #tpu.memory_space<vmem>>, vector<1024x256xf32>,
    return
  }
  func.func @transform_0(%arg0: i32) -> (i32, i32) {
    %c0_i32 = arith.constant 0 : i32
    %c0_i32_0 = arith.constant 0 : i32
    return %arg0, %c0_i32 : i32, i32
  }
  func.func @transform_1(%arg0: i32) -> (i32, i32) {
    %add3A = arith.constant 10 : i32
    %add3A_0 = arith.addi %add3A, %arg0 : i32
    %c0_i32 = arith.constant 0 : i32
    %c0_i32_1 = arith.constant 0 : i32
    return %add3A_0, %c0_i32 : i32, i32
  }
  func.func @transform_2(%arg0: i32) -> (i32, i32) {
    %c0_i32 = arith.constant 0 : i32
    %c0_i32_0 = arith.constant 0 : i32
    return %arg0, %c0_i32 : i32, i32
  }
  func.func @transform_3(%arg0: i32) -> (i32, i32) {
    %c0_i32 = arith.constant 0 : i32
    %c0_i32_0 = arith.constant 0 : i32
    %c0_i32_1 = arith.constant 0 : i32
    return %c0_i32, %c0_i32_0 : i32, i32
  }
  func.func @transform_4(%arg0: i32) -> (i32, i32) {
    %c0_i32 = arith.constant 0 : i32
    %c0_i32_0 = arith.constant 0 : i32
    %c0_i32_1 = arith.constant 0 : i32
    return %c0_i32, %c0_i32_0 : i32, i32
  }
  func.func @transform_5(%arg0: i32) -> (i32, i32) {
    %c0_i32 = arith.constant 0 : i32
    %c0_i32_0 = arith.constant 0 : i32
    return %arg0, %c0_i32 : i32, i32
  }
}

</mosaic_0001>

<sc_bundles>
// kernel: kernel.10.cloned.1.call-start
scs
__scs_entry_jumppad:
0x0: {  	(pc) =	sbr.rel $0x88, $3  }
0x1: {  	(tag) =	ssettag $0x0;
	lr =	simm.s32 $0x1  }
0x2: {  	[smem:$0x3F9D] =	sst lr;
	_ =	strace $0xD0000000  }
0x3: {  	_ = 	snop  }
0x4: {  	_ = 	snop  }
0x5: {  	_ = 	snop  }
0x6: {  	_ = 	snop  }
0x7: {  	_ = 	snop  }
__scs_overlays_trampoline_lowered:
0x8: {  	[smem:$0x3FAC] =	sst s0  }
0x9: {  	[smem:$0x3FAD] =	sst s1  }
0xa: {  	[smem:$0x3FAE] =	sst s2  }
0xb: {  	[smem:$0x3FAF] =	sst s3  }
0xc: {  	[smem:$0x3FB0] =	sst s4  }
0xd: {  	[smem:$0x3FB1] =	sst s5  }
0xe: {  	[smem:$0x3FB2] =	sst s6  }
0xf: {  	[smem:$0x3FB3] =	sst s7  }
0x10: {  	[smem:$0x3FB4] =	sst s8  }
0x11: {  	[smem:$0x3FB5] =	sst s9;
	s0 =	simm.s32 @!p0 $0x0  }
0x12: {  	s1 =	sld [smem:$0x3F9B];
	s0 =	simm.s32 @p0 $0x1  }
0x13: {  	[smem:$0x3FB6] =	sst s0;
	s0 =	simm.s32 @!p1 $0x0  }
0x14: {  	s2 =	sld [smem:$0x3F9A];
	s0 =	simm.s32 @p1 $0x1  }
0x15: {  	[smem:$0x3FB7] =	sst s0;
	s0 =	simm.s32 @!p2 $0x0  }
0x16: {  	s3 =	sld [smem:$0x3FDB];
	s0 =	simm.s32 @p2 $0x1  }
0x17: {  	s4 =	simm.s32 $0x1BF5;
	[smem:$0x3FB9] =	sst s0  }
0x18: {  	s0 =	sld [smem:$0x3F9C];
	_ =	swait.ge [sflag:s4], $0x0  }
0x19: {  	s7 =	sld [smem:$0x3F9D]  }
0x1a: {  	s8 =	sadd.s32 $0xFFFFE003, lr  }
0x1b: {  	s9 =	sadd.s32 $0xFFFFFEF7, lr;
	s5 =	simm.s32 $0xFFFFFFFF;
	p2 =	slt.u32 s8, $0xFFFFF086  }
0x1c: {  	p1 =	slt.u32 s9, $0xF7A;
	s5 =	simm.s32 @!p2 $0x0  }
0x1d: {  	s5 =	simm.s32 @p1 $0x1;
	p0 =	seq.s32 s7, s2  }
0x1e: {  	s7 =	smul.u32 @!p0 $0xF7A, s2;
	p2 =	seq.s32 @!p0 s5, $0x0  }
0x1f: {  	s9 =	smul.u32 $0xF7A, s1;
	s8 =	simm.s32 @!p0 $0x1BF5;
	p2 =	por !p2, p0  }
0x20: {  	[sflag:s8] =	ssyncset.s32 @!p0 $0xFFFFF086;
	s6 =	sadd.s32 @!p0 s3, s7;
	s7 =	simm.s32 @!p0 $0x108  }
0x21: {  	s3 =	sadd.s32 s3, s9;
	s6 =	sadd.s32 @!p0 $0x88, s6;
	s7 =	simm.s32 @p2 $0x1082  }
0x22: {  	[simem:s7], [sflag:s8] =	dma.local @!p0 [hbm:s6], $0xF7A  }
0x23: {  	s9 =	sor.u32 $0xD0000000, s2;
	s6 =	simm.s32 $0x108;
	_ =	swait.ge @!p0 [sflag:s8], $0x0  }
0x24: {  	s3 =	sadd.s32 $0x88, s3;
	s6 =	simm.s32 @!p1 $0x1082;
	[sflag:s4] =	ssyncset.s32 $0xFFFFF086  }
0x25: {  	[simem:s6], [sflag:s4] =	dma.local [hbm:s3], $0xF7A  }
0x26: {  	[smem:$0x3F9D] =	sst s1;
	(tag) =	ssettag s2;
	_ =	strace s9  }
0x27: {  	s1 =	sld [smem:$0x3FAD]  }
0x28: {  	s2 =	sld [smem:$0x3FAE]  }
0x29: {  	s4 =	sld [smem:$0x3FB0]  }
0x2a: {  	p0 =	seq.s32 s5, $0x0;
	s5 =	sld [smem:$0x3FB1]  }
0x2b: {  	s6 =	sld [smem:$0x3FB2]  }
0x2c: {  	s7 =	sld [smem:$0x3FB3]  }
0x2d: {  	s3 =	simm.s32 $0x108;
	s8 =	sld [smem:$0x3FB4]  }
0x2e: {  	s3 =	simm.s32 @!p0 $0x1082;
	s9 =	sld [smem:$0x3FB5]  }
0x2f: {  	lr =	sadd.s32 s0, s3;
	s0 =	sld [smem:$0x3FAC]  }
0x30: {  	s3 =	sld [smem:$0x3FAF]  }
0x31: {  	[smem:$0x3FB8] =	sst s10  }
0x32: {  	s10 =	sld [smem:$0x3FB6];
	_ =	sdelay $0x3  }
0x33: {  	p0 =	seq.s32 s10, $0x1;
	s10 =	sld [smem:$0x3FB8];
	_ =	sdelay $0x3  }
0x34: {  	[smem:$0x3FB8] =	sst s10  }
0x35: {  	s10 =	sld [smem:$0x3FB7];
	_ =	sdelay $0x3  }
0x36: {  	p1 =	seq.s32 s10, $0x1;
	s10 =	sld [smem:$0x3FB8];
	_ =	sdelay $0x3  }
0x37: {  	[smem:$0x3FB8] =	sst s10  }
0x38: {  	s10 =	sld [smem:$0x3FB9]  }
0x39: {  	_ = 	snop;
	(pc) =	sbr.ind lr, $3  }
0x3a: {  	_ = 	snop  }
0x3b: {  	_ = 	snop  }
0x3c: {  	p2 =	seq.s32 s10, $0x1;
	s10 =	sld [smem:$0x3FB8]  }
0x3d: {  	_ =	shalt  }
0x3e: {  	_ =	shalt  }
0x3f: {  	_ =	shalt  }
0x40: {  	_ =	shalt  }
0x41: {  	_ =	shalt  }
0x42: {  	_ =	shalt  }
0x43: {  	_ =	shalt  }
0x44: {  	_ =	shalt  }
0x45: {  	_ =	shalt  }
0x46: {  	_ =	shalt  }
0x47: {  	_ =	shalt  }
0x48: {  	_ =	shalt  }
0x49: {  	_ =	shalt  }
0x4a: {  	_ =	shalt  }
0x4b: {  	_ =	shalt  }
0x4c: {  	_ =	shalt  }
0x4d: {  	_ =	shalt  }
0x4e: {  	_ =	shalt  }
0x4f: {  	_ =	shalt  }
0x50: {  	_ =	shalt  }
0x51: {  	_ =	shalt  }
0x52: {  	_ =	shalt  }
0x53: {  	_ =	shalt  }
0x54: {  	_ =	shalt  }
0x55: {  	_ =	shalt  }
0x56: {  	_ =	shalt  }
0x57: {  	_ =	shalt  }
0x58: {  	_ =	shalt  }
0x59: {  	_ =	shalt  }
0x5a: {  	_ =	shalt  }
0x5b: {  	_ =	shalt  }
0x5c: {  	_ =	shalt  }
0x5d: {  	_ =	shalt  }
0x5e: {  	_ =	shalt  }
0x5f: {  	_ =	shalt  }
0x60: {  	_ =	shalt  }
0x61: {  	_ =	shalt  }
0x62: {  	_ =	shalt  }
0x63: {  	_ =	shalt  }
0x64: {  	_ =	shalt  }
0x65: {  	_ =	shalt  }
0x66: {  	_ =	shalt  }
0x67: {  	_ =	shalt  }
0x68: {  	_ =	shalt  }
0x69: {  	_ =	shalt  }
0x6a: {  	_ =	shalt  }
0x6b: {  	_ =	shalt  }
0x6c: {  	_ =	shalt  }
0x6d: {  	_ =	shalt  }
0x6e: {  	_ =	shalt  }
0x6f: {  	_ =	shalt  }
0x70: {  	_ =	shalt  }
0x71: {  	_ =	shalt  }
0x72: {  	_ =	shalt  }
0x73: {  	_ =	shalt  }
0x74: {  	_ =	shalt  }
0x75: {  	_ =	shalt  }
0x76: {  	_ =	shalt  }
0x77: {  	_ =	shalt  }
0x78: {  	_ =	shalt  }
0x79: {  	_ =	shalt  }
0x7a: {  	_ =	shalt  }
0x7b: {  	_ =	shalt  }
0x7c: {  	_ =	shalt  }
0x7d: {  	_ =	shalt  }
0x7e: {  	_ =	shalt  }
0x7f: {  	_ =	shalt  }
0x80: {  	_ =	shalt  }
0x81: {  	_ =	shalt  }
0x82: {  	_ =	shalt  }
0x83: {  	_ =	shalt  }
0x84: {  	_ =	shalt  }
0x85: {  	_ =	shalt  }
0x86: {  	_ =	shalt  }
0x87: {  	_ =	shalt  }
.Lfunc_end0:
.L_simem_size_0:
called_computation.1_lowered:
.L_overlay_start_0:
0x88: {  	s2 =	sld [smem:$0x3FD9]  }
0x89: {  	s3 =	sld [smem:$0x3FFE];
	_ =	sdelay $0x1  }
0x8a: {  	s1 =	srdreg.scid  }
0x8b: {  	s0 =	sand.u32 $0x1, s1  }
0x8c: {  	s17 =	sshll.u32 s0, $0xA;
	s2 =	sadd.s32 s3, s2  }
0x8d: {  	s2 =	sadd.s32 s2, s17  }
0x8e: {  	[smem:$0x3FC4] =	sst s2  }
0x8f: {  	_ = 	snop  }
0x90: {  	s2 =	sld [smem:$0x3FD0];
	(tm) =	ssettm $0x1  }
0x91: {  	s18 =	sld [smem:$0x3FFB];
	_ =	sdelay $0x3  }
0x92: {  	_ =	strace s18  }
0x93: {  	s3 =	sld [smem:$0x3FFC];
	_ =	sdelay $0x3  }
0x94: {  	_ =	strace s3  }
0x95: {  	s3 =	sld [smem:$0x3FFD];
	_ =	sdelay $0x3  }
0x96: {  	_ =	strace s3  }
0x97: {  	_ =	strace $0x8FFFFFFF  }
0x98: {  	s19 =	sld [smem:$0x3FDB];
	_ =	sdelay $0x1  }
0x99: {  	s4 =	simm.s32 $_scs_section_size  }
0x9a: {  	s5 =	simm.s32 $_size__tile_overlayer_lowered;
	s6 =	simm.s32 $_tile_overlayer_lowered  }
0x9b: {  	s22 =	simm.s32 $0x1BFF;
	s21 =	sshll.u32 s6, $0x1;
	s3 =	sadd.s32 s4, s19  }
0x9c: {  	s7 =	simm.s32 $0x0;
	s20 =	sshll.u32 s5, $0x1;
	s5 =	sadd.s32 s21, s3  }
0x9d: {  	[timem:s7], [sflag:s22] =	dma.local [hbm:s5], s20  }
0x9e: {  	_ =	swait.ge [sflag:s22], s20  }
0x9f: {  	s4 =	ssub.s32 $0x0, s20;
	[sflag:s22] =	ssyncset.done $0x0  }
0xa0: {  	[sflag:s22] =	ssyncadd.s32 s4;
	_ =	sdelay $0x1  }
0xa1: {  	s23 =	simm.s32 $0x1B8B  }
0xa2: {  	_ =	swait.ge [sflag:s23], $0x1  }
0xa3: {  	[sflag:s23] =	ssyncset.done $0x0  }
0xa4: {  	s25 =	simm.s32 $0x1B8E;
	s24 =	sld [smem:$0x3FFE];
	[sflag:s23] =	ssyncadd.s32 $0xFFFFFFFF  }
0xa5: {  	s26 =	simm.s32 $execute0_lowered;
	[smem:$0x3FD2] =	sst s25  }
0xa6: {  	s5 =	sshll.u32 s26, $0x1;
	_ =	strace $0x80000049;
	[dreg:$0x1] =	wrdreg $0xFFFFFFFF  }
0xa7: {  	s28 =	simm.s32 $_size_execute0_lowered;
	s3 =	sadd.s32 s3, s5;
	[dreg:$0x0] =	wrdreg $0x0  }
0xa8: {  	s5 =	sshll.u32 s28, $0x1;
	[dreg:$0x2] =	wrdreg s3  }
0xa9: {  	[dreg:$0x3] =	wrdreg s5  }
0xaa: {  	[dreg:$0x4] =	wrdreg $0xC0  }
0xab: {  	_ =	task [dreg:s7], $0x5FFFF  }
0xac: {  	[dreg:$0x1] =	wrdreg $0xFFFFFFFF  }
0xad: {  	[dreg:$0x0] =	wrdreg $0x60  }
0xae: {  	[dreg:$0x2] =	wrdreg s24  }
0xaf: {  	[dreg:$0x3] =	wrdreg s2  }
0xb0: {  	[dreg:$0x4] =	wrdreg $0x90000  }
0xb1: {  	[dreg:$0x5] =	wrdreg $0x9  }
0xb2: {  	_ =	task.clear_ibuf [dreg:s7], $0x6FFFF;
	_ =	strace $0x90000049  }
0xb3: {  	s29 =	simm.s32 $0x9;
	_ =	strace $0x8000004B  }
0xb4: {  	_ =	swait.ge [sflag:s29], $0x1  }
0xb5: {  	[sflag:s29] =	ssyncadd.s32 $0xFFFFFFFF  }
0xb6: {  	_ =	strace $0x9000004B  }
0xb7: {  	_ =	sfence  }
0xb8: {  	s30 =	sld [smem:$0x0];
	_ =	sdelay $0x2  }
0xb9: {  	s31 =	sshll.u32 s1, $0xD;
	s1 =	sshrl.u32 s1, $0x2  }
0xba: {  	s3 =	sand.u32 $0x4000, s31;
	s1 =	sadd.s32 s1, s30  }
0xbb: {  	s0 =	sor.u32 s3, s0;
	s1 =	sshll.u32 s1, $0x11  }
0xbc: {  	s0 =	sor.u32 s1, s0  }
0xbd: {  	s0 =	sadd.s32 $0x8F2B, s0  }
0xbe: {  	[sflag:s0] =	ssyncadd.remote.s32 $0x1  }
0xbf: {  	_ =	sfence.sel $0xFFFF  }
0xc0: {  	[dreg:$0x0] =	wrdreg $0xFFFFFFFF;
	(pc) =	sbr.abs _section_cstart, $3  }
0xc1: {  	[dreg:$0x1] =	wrdreg $0xFFFFFFFF  }
0xc2: {  	_ =	task.clear_ibuf [dreg:s7], $0x2FFFF;
	_ =	strace $0x9FFFFFFF  }
0xc3: {  	(tm) =	ssettm $0x7FFFFFFF  }
tec
execute0_lowered:
.L_overlay_start_1:
0x0: {  	(tag) =	ssettag $0x1  }
0x1: {  	s5 =	rddreg [dreg:$0x0]  }
0x2: {  	s6 =	rddreg [dreg:$0x1]  }
0x3: {  	s2 =	rddreg [dreg:$0x2]  }
0x4: {  	s0 =	rddreg [dreg:$0x3];
	s3 =	simm.s32 $0x0;
	s1 =	stileid.u32  }
0x5: {  	s4 =	srdreg.scid;
	s14 =	simm.s32 $0x5000;
	s15 =	simm.s32 $0x1  }
0x6: {  	s16 =	simm.s32 $0x2800;
	s17 =	simm.s32 $0x80;
	[smem:$0x7FF] =	sst s3  }
0x7: {  	s7 =	smul.u32 $0x2800, s1;
	s8 =	sand.u32 $0x1, s4;
	s4 =	sadd.s32 $0x5A00, s5  }
0x8: {  	s11 =	smul.u32 $0x50000, s1;
	s18 =	sshll.u32 s1, $0x6;
	_ =	strace $0x8000004A  }
0x9: {  	s9 =	smul.u32 $0x28000, s8;
	s8 =	ssub.s32 $0x2, s8;
	s18 =	sor.u32 $0x1C01, s18  }
0xa: {  	s10 =	sshrl.u32 s7, $0x3;
	s31 =	sshrl.u32 s8, $0x1;
	s11 =	sshrl.u32 s11, $0x2  }
0xb: {  	s10 =	sadd.s32 s10, s5;
	s7 =	sadd.s32 s7, s9;
	s12 =	ssub.s32 s8, s31  }
0xc: {  	s9 =	sadd.s32 s7, s5;
	s5 =	sadd.s32 s11, s2;
	s7 =	sshrl.u32 s7, $0x3  }
0xd: {  	s6 =	sadd.s32 s6, s7;
	s7 =	sadd.s32 $0xA00, s10;
	s8 =	sadd.s32 $0x55A00, s9  }
0xe: {  	s9 =	smax.u32 s12, $0x1;
	s10 =	sadd.s32 $0x4000, s5;
	s11 =	sadd.s32 $0x8000, s5  }
0xf: {  	v0 =	vimm.f32 $0.0e+00;
	s12 =	sadd.s32 $0xC000, s5;
	s13 =	sadd.s32 $0x10000, s5;
	s19 =	sshrl.u32 s5, $0x3  }
.LBB2_1:
0x10: {  	s20 =	simm.s32 $0x0;
	s21 =	simm.s32 $0x200  }
.LBB2_2:
0x11: {  	p0 =	sne.s32 s21, $0xFE00;
	[tilespmem:s20+$0x5070] =	vst v0  }
0x12: {  	[tilespmem:s20+$0x5000] =	vst v0  }
0x13: {  	[tilespmem:s20+$0x5010] =	vst v0  }
.Ltmp0:
0x14: {  	[tilespmem:s20+$0x5020] =	vst v0;
	(pc) =	sbr.rel @p0 .LBB2_2-.Ltmp0, $4  }
0x15: {  	[tilespmem:s20+$0x5030] =	vst v0  }
0x16: {  	[tilespmem:s20+$0x5040] =	vst v0  }
0x17: {  	[tilespmem:s20+$0x5050] =	vst v0  }
0x18: {  	[tilespmem:s20+$0x5060] =	vst v0;
	s20 =	sshra.s32 s21, $0x2;
	s21 =	sadd.s32 $0x200, s21  }
0x19: {  	[tilespmem:s20+$0x5070] =	vst v0  }
0x1a: {  	[tilespmem:s20+$0x5000] =	vst v0  }
0x1b: {  	[tilespmem:s20+$0x5010] =	vst v0  }
0x1c: {  	[tilespmem:s20+$0x5020] =	vst v0  }
0x1d: {  	[tilespmem:s20+$0x5030] =	vst v0  }
0x1e: {  	[tilespmem:s20+$0x5040] =	vst v0  }
0x1f: {  	[tilespmem:s20+$0x5050] =	vst v0  }
0x20: {  	[tilespmem:s20+$0x5060] =	vst v0  }
0x21: {  	[spmem:s5] =	stream.linear.scatter [tilespmem:s14], [sflag:$0x1], $0x4000, $0x38;
	[tilespmem:$0x1D000] =	vst v63  }
0x22: {  	_ =	swait.ge [sflag:s15], $0x4000  }
0x23: {  	[sflag:s15] =	ssyncset.done $0x0  }
0x24: {  	[sflag:s15] =	ssyncadd.s32 $0xFFFFC000  }
0x25: {  	[spmem:s10] =	stream.linear.scatter [tilespmem:s14], [sflag:$0x1], $0x4000, $0x38;
	[tilespmem:$0x1D000] =	vst v63  }
0x26: {  	_ =	swait.ge [sflag:s15], $0x4000  }
0x27: {  	[sflag:s15] =	ssyncset.done $0x0  }
0x28: {  	[sflag:s15] =	ssyncadd.s32 $0xFFFFC000  }
0x29: {  	[spmem:s11] =	stream.linear.scatter [tilespmem:s14], [sflag:$0x1], $0x4000, $0x38;
	[tilespmem:$0x1D000] =	vst v63  }
0x2a: {  	_ =	swait.ge [sflag:s15], $0x4000  }
0x2b: {  	[sflag:s15] =	ssyncset.done $0x0  }
0x2c: {  	[sflag:s15] =	ssyncadd.s32 $0xFFFFC000  }
0x2d: {  	[spmem:s12] =	stream.linear.scatter [tilespmem:s14], [sflag:$0x1], $0x4000, $0x38;
	[tilespmem:$0x1D000] =	vst v63  }
0x2e: {  	_ =	swait.ge [sflag:s15], $0x4000  }
0x2f: {  	[sflag:s15] =	ssyncset.done $0x0  }
0x30: {  	[sflag:s15] =	ssyncadd.s32 $0xFFFFC000  }
0x31: {  	[spmem:s13] =	stream.linear.scatter [tilespmem:s14], [sflag:$0x1], $0x4000, $0x38;
	[tilespmem:$0x1D000] =	vst v63  }
0x32: {  	_ =	swait.ge [sflag:s15], $0x4000  }
0x33: {  	[sflag:s15] =	ssyncset.done $0x0  }
0x34: {  	[sflag:s15] =	ssyncadd.s32 $0xFFFFC000  }
0x35: {  	s29 =	simm.s32 $0x0;
	[bflag:$0x0] =	sbarrier.arrive $0xFFFF  }
0x36: {  	[tilespmem:s29], [sflag:$0x1] =	stream.linear.gather [hbm4b:s6+s29], $0x2800, $0x38;
	[tilespmem:$0x1D000] =	vst v63  }
0x37: {  	_ =	swait.ge [sflag:s15], $0x2800  }
0x38: {  	[sflag:s15] =	ssyncset.done $0x0  }
0x39: {  	[sflag:s15] =	ssyncadd.s32 $0xFFFFD800  }
0x3a: {  	[tilespmem:s16], [sflag:$0x1] =	stream.linear.gather [hbm4b:s7+s29], $0x2800, $0x38;
	[tilespmem:$0x1D000] =	vst v63  }
0x3b: {  	_ =	swait.ge [sflag:s15], $0x2800  }
0x3c: {  	[sflag:s15] =	ssyncset.done $0x0  }
0x3d: {  	s30 =	simm.s32 $0x0;
	[sflag:s15] =	ssyncadd.s32 $0xFFFFD800  }
0x3e: {  	[tilespmem:s14], [sflag:$0x1] =	stream.indirect.gather [hbm4b:s4+s17], $0x80, s30, s17, $0xb8;
	[tilespmem:$0x1D000] =	vst v63  }
0x3f: {  	_ =	swait.ge [sflag:s15], $0x4000  }
0x40: {  	[sflag:s15] =	ssyncset.done $0x0  }
0x41: {  	s31 =	simm.s32 $0x2800;
	[sflag:s15] =	ssyncadd.s32 $0xFFFFC000  }
0x42: {  	[spmem:s2] =	stream.indirect.scatter.add.f32 [tilespmem:s14], [sflag:$0x1], $0x80, s31, s17, $0xb8;
	[tilespmem:$0x1D000] =	vst v63  }
0x43: {  	_ =	swait.ge [sflag:s15], $0x4000  }
0x44: {  	s20 =	simm.s32 $0x200;
	s21 =	simm.s32 $0x400;
	[sflag:s15] =	ssyncset.done $0x0  }
.LBB2_4:
0x45: {  	s22 =	sshra.s32 s20, $0x2  }
0x46: {  	[sflag:s15] =	ssyncadd.s32 $0xFFFFC000;
	s20 =	smov.u32 s21;
	s23 =	sadd.s32 $0x200, s21  }
0x47: {  	[tilespmem:s14], [sflag:$0x1] =	stream.indirect.gather [hbm4b:s4+s17], $0x80, s22, s17, $0xb8;
	[tilespmem:$0x1D000] =	vst v63  }
0x48: {  	p0 =	sne.s32 s21, $0x9E00;
	_ =	swait.ge [sflag:s15], $0x4000  }
.Ltmp1:
0x49: {  	[sflag:s15] =	ssyncset.done $0x0;
	(pc) =	sbr.rel @p0 .LBB2_4-.Ltmp1, $4  }
0x4a: {  	s21 =	sadd.s32 $0x2800, s22;
	[sflag:s15] =	ssyncadd.s32 $0xFFFFC000  }
0x4b: {  	[spmem:s2] =	stream.indirect.scatter.add.f32 [tilespmem:s14], [sflag:$0x1], $0x80, s21, s17, $0xb8;
	[tilespmem:$0x1D000] =	vst v63  }
0x4c: {  	_ =	swait.ge [sflag:s15], $0x4000  }
0x4d: {  	s21 =	smov.u32 s23;
	[sflag:s15] =	ssyncset.done $0x0  }
0x4e: {  	s20 =	sshra.s32 s20, $0x2;
	[sflag:s15] =	ssyncadd.s32 $0xFFFFC000  }
0x4f: {  	[tilespmem:s14], [sflag:$0x1] =	stream.indirect.gather [hbm4b:s4+s17], $0x80, s20, s17, $0xb8;
	[tilespmem:$0x1D000] =	vst v63  }
0x50: {  	_ =	swait.ge [sflag:s15], $0x4000  }
0x51: {  	[sflag:s15] =	ssyncset.done $0x0  }
0x52: {  	s20 =	sadd.s32 $0x2800, s20;
	[sflag:s15] =	ssyncadd.s32 $0xFFFFC000  }
0x53: {  	[spmem:s2] =	stream.indirect.scatter.add.f32 [tilespmem:s14], [sflag:$0x1], $0x80, s20, s17, $0xb8;
	[tilespmem:$0x1D000] =	vst v63  }
0x54: {  	_ =	swait.ge [sflag:s15], $0x4000  }
0x55: {  	s3 =	sadd.s32 $0x1, s3;
	[sflag:s15] =	ssyncset.done $0x0  }
0x56: {  	p0 =	sne.s32 s3, s9;
	[sflag:s15] =	ssyncadd.s32 $0xFFFFC000  }
.Ltmp2:
0x57: {  	[bflag:$0x0] =	sbarrier.arrive $0xFFFF;
	(pc) =	sbr.rel @p0 .LBB2_1-.Ltmp2, $4  }
0x58: {  	[hbm:s8], [sflag:s18] =	dma.local [spmem:s19], $0x2800  }
0x59: {  	_ =	swait.ge [sflag:s15], $0x2800  }
0x5a: {  	[sflag:s15] =	ssyncset.done $0x0  }
0x5b: {  	[sflag:s15] =	ssyncadd.s32 $0xFFFFD800  }
0x5c: {  	_ =	sfence.sel $0x180000  }
0x5d: {  	[bflag:$0x0] =	sbarrier.arrive $0xFFFF  }
0x5e: {  	p0 =	sne.s32 s1, $0x0;
	_ =	strace $0x9000004A  }
0x5f: {  	s0 =	sadd.s32 @!p0 $0x100000, s0;
	[bflag:$0x2] =	sbarrier.arrive $0xFFFF  }
0x60: {  	[sflag:s0] =	ssyncadd.tile.s32 @!p0 $0x1;
	_ =	shalt  }
.Lfunc_end2:
_tile_overlayer_lowered:
.L_overlay_start_2:
0x61: {  	(tag) =	ssettag $0x2  }
0x62: {  	s0 =	rddreg [dreg:$0x0];
	s2 =	stileid.u32  }
0x63: {  	s1 =	rddreg [dreg:$0x1];
	p0 =	sne.s32 s2, $0x0  }
0x64: {  	s3 =	rddreg [dreg:$0x2];
	[bflag:$0x3] =	sbarrier.arrive $0xFFFF;
	s2 =	simm.s32 @!p0 $0x1C01  }
0x65: {  	[timem:s3], [sflag:s2] =	dma.local @!p0 [hbm:s0], s1  }
0x66: {  	s0 =	simm.s32 @!p0 $0x1  }
0x67: {  	_ =	swait.ge @!p0 [sflag:s0], s1  }
0x68: {  	s1 =	ssub.s32 @!p0 $0x0, s1;
	[sflag:s0] =	ssyncset.done @!p0 $0x0  }
0x69: {  	[sflag:s0] =	ssyncadd.s32 @!p0 s1  }
0x6a: {  	[bflag:$0x3] =	sbarrier.arrive $0xFFFF  }
0x6b: {  	_ =	shalt  }

// kernel: kernel.7.cloned.1.call-start
scs
__scs_entry_jumppad:
0x0: {  	(pc) =	sbr.rel $0x88, $3  }
0x1: {  	(tag) =	ssettag $0x0;
	lr =	simm.s32 $0x1  }
0x2: {  	[smem:$0x3F9D] =	sst lr;
	_ =	strace $0xD0000000  }
0x3: {  	_ = 	snop  }
0x4: {  	_ = 	snop  }
0x5: {  	_ = 	snop  }
0x6: {  	_ = 	snop  }
0x7: {  	_ = 	snop  }
__scs_overlays_trampoline_lowered:
0x8: {  	[smem:$0x3FAC] =	sst s0  }
0x9: {  	[smem:$0x3FAD] =	sst s1  }
0xa: {  	[smem:$0x3FAE] =	sst s2  }
0xb: {  	[smem:$0x3FAF] =	sst s3  }
0xc: {  	[smem:$0x3FB0] =	sst s4  }
0xd: {  	[smem:$0x3FB1] =	sst s5  }
0xe: {  	[smem:$0x3FB2] =	sst s6  }
0xf: {  	[smem:$0x3FB3] =	sst s7  }
0x10: {  	[smem:$0x3FB4] =	sst s8  }
0x11: {  	[smem:$0x3FB5] =	sst s9;
	s0 =	simm.s32 @!p0 $0x0  }
0x12: {  	s1 =	sld [smem:$0x3F9B];
	s0 =	simm.s32 @p0 $0x1  }
0x13: {  	[smem:$0x3FB6] =	sst s0;
	s0 =	simm.s32 @!p1 $0x0  }
0x14: {  	s2 =	sld [smem:$0x3F9A];
	s0 =	simm.s32 @p1 $0x1  }
0x15: {  	[smem:$0x3FB7] =	sst s0;
	s0 =	simm.s32 @!p2 $0x0  }
0x16: {  	s3 =	sld [smem:$0x3FDB];
	s0 =	simm.s32 @p2 $0x1  }
0x17: {  	s4 =	simm.s32 $0x1BF5;
	[smem:$0x3FB9] =	sst s0  }
0x18: {  	s0 =	sld [smem:$0x3F9C];
	_ =	swait.ge [sflag:s4], $0x0  }
0x19: {  	s7 =	sld [smem:$0x3F9D]  }
0x1a: {  	s8 =	sadd.s32 $0xFFFFE003, lr  }
0x1b: {  	s9 =	sadd.s32 $0xFFFFFEF7, lr;
	s5 =	simm.s32 $0xFFFFFFFF;
	p2 =	slt.u32 s8, $0xFFFFF086  }
0x1c: {  	p1 =	slt.u32 s9, $0xF7A;
	s5 =	simm.s32 @!p2 $0x0  }
0x1d: {  	s5 =	simm.s32 @p1 $0x1;
	p0 =	seq.s32 s7, s2  }
0x1e: {  	s7 =	smul.u32 @!p0 $0xF7A, s2;
	p2 =	seq.s32 @!p0 s5, $0x0  }
0x1f: {  	s9 =	smul.u32 $0xF7A, s1;
	s8 =	simm.s32 @!p0 $0x1BF5;
	p2 =	por !p2, p0  }
0x20: {  	[sflag:s8] =	ssyncset.s32 @!p0 $0xFFFFF086;
	s6 =	sadd.s32 @!p0 s3, s7;
	s7 =	simm.s32 @!p0 $0x108  }
0x21: {  	s3 =	sadd.s32 s3, s9;
	s6 =	sadd.s32 @!p0 $0x88, s6;
	s7 =	simm.s32 @p2 $0x1082  }
0x22: {  	[simem:s7], [sflag:s8] =	dma.local @!p0 [hbm:s6], $0xF7A  }
0x23: {  	s9 =	sor.u32 $0xD0000000, s2;
	s6 =	simm.s32 $0x108;
	_ =	swait.ge @!p0 [sflag:s8], $0x0  }
0x24: {  	s3 =	sadd.s32 $0x88, s3;
	s6 =	simm.s32 @!p1 $0x1082;
	[sflag:s4] =	ssyncset.s32 $0xFFFFF086  }
0x25: {  	[simem:s6], [sflag:s4] =	dma.local [hbm:s3], $0xF7A  }
0x26: {  	[smem:$0x3F9D] =	sst s1;
	(tag) =	ssettag s2;
	_ =	strace s9  }
0x27: {  	s1 =	sld [smem:$0x3FAD]  }
0x28: {  	s2 =	sld [smem:$0x3FAE]  }
0x29: {  	s4 =	sld [smem:$0x3FB0]  }
0x2a: {  	p0 =	seq.s32 s5, $0x0;
	s5 =	sld [smem:$0x3FB1]  }
0x2b: {  	s6 =	sld [smem:$0x3FB2]  }
0x2c: {  	s7 =	sld [smem:$0x3FB3]  }
0x2d: {  	s3 =	simm.s32 $0x108;
	s8 =	sld [smem:$0x3FB4]  }
0x2e: {  	s3 =	simm.s32 @!p0 $0x1082;
	s9 =	sld [smem:$0x3FB5]  }
0x2f: {  	lr =	sadd.s32 s0, s3;
	s0 =	sld [smem:$0x3FAC]  }
0x30: {  	s3 =	sld [smem:$0x3FAF]  }
0x31: {  	[smem:$0x3FB8] =	sst s10  }
0x32: {  	s10 =	sld [smem:$0x3FB6];
	_ =	sdelay $0x3  }
0x33: {  	p0 =	seq.s32 s10, $0x1;
	s10 =	sld [smem:$0x3FB8];
	_ =	sdelay $0x3  }
0x34: {  	[smem:$0x3FB8] =	sst s10  }
0x35: {  	s10 =	sld [smem:$0x3FB7];
	_ =	sdelay $0x3  }
0x36: {  	p1 =	seq.s32 s10, $0x1;
	s10 =	sld [smem:$0x3FB8];
	_ =	sdelay $0x3  }
0x37: {  	[smem:$0x3FB8] =	sst s10  }
0x38: {  	s10 =	sld [smem:$0x3FB9]  }
0x39: {  	_ = 	snop;
	(pc) =	sbr.ind lr, $3  }
0x3a: {  	_ = 	snop  }
0x3b: {  	_ = 	snop  }
0x3c: {  	p2 =	seq.s32 s10, $0x1;
	s10 =	sld [smem:$0x3FB8]  }
0x3d: {  	_ =	shalt  }
0x3e: {  	_ =	shalt  }
0x3f: {  	_ =	shalt  }
0x40: {  	_ =	shalt  }
0x41: {  	_ =	shalt  }
0x42: {  	_ =	shalt  }
0x43: {  	_ =	shalt  }
0x44: {  	_ =	shalt  }
0x45: {  	_ =	shalt  }
0x46: {  	_ =	shalt  }
0x47: {  	_ =	shalt  }
0x48: {  	_ =	shalt  }
0x49: {  	_ =	shalt  }
0x4a: {  	_ =	shalt  }
0x4b: {  	_ =	shalt  }
0x4c: {  	_ =	shalt  }
0x4d: {  	_ =	shalt  }
0x4e: {  	_ =	shalt  }
0x4f: {  	_ =	shalt  }
0x50: {  	_ =	shalt  }
0x51: {  	_ =	shalt  }
0x52: {  	_ =	shalt  }
0x53: {  	_ =	shalt  }
0x54: {  	_ =	shalt  }
0x55: {  	_ =	shalt  }
0x56: {  	_ =	shalt  }
0x57: {  	_ =	shalt  }
0x58: {  	_ =	shalt  }
0x59: {  	_ =	shalt  }
0x5a: {  	_ =	shalt  }
0x5b: {  	_ =	shalt  }
0x5c: {  	_ =	shalt  }
0x5d: {  	_ =	shalt  }
0x5e: {  	_ =	shalt  }
0x5f: {  	_ =	shalt  }
0x60: {  	_ =	shalt  }
0x61: {  	_ =	shalt  }
0x62: {  	_ =	shalt  }
0x63: {  	_ =	shalt  }
0x64: {  	_ =	shalt  }
0x65: {  	_ =	shalt  }
0x66: {  	_ =	shalt  }
0x67: {  	_ =	shalt  }
0x68: {  	_ =	shalt  }
0x69: {  	_ =	shalt  }
0x6a: {  	_ =	shalt  }
0x6b: {  	_ =	shalt  }
0x6c: {  	_ =	shalt  }
0x6d: {  	_ =	shalt  }
0x6e: {  	_ =	shalt  }
0x6f: {  	_ =	shalt  }
0x70: {  	_ =	shalt  }
0x71: {  	_ =	shalt  }
0x72: {  	_ =	shalt  }
0x73: {  	_ =	shalt  }
0x74: {  	_ =	shalt  }
0x75: {  	_ =	shalt  }
0x76: {  	_ =	shalt  }
0x77: {  	_ =	shalt  }
0x78: {  	_ =	shalt  }
0x79: {  	_ =	shalt  }
0x7a: {  	_ =	shalt  }
0x7b: {  	_ =	shalt  }
0x7c: {  	_ =	shalt  }
0x7d: {  	_ =	shalt  }
0x7e: {  	_ =	shalt  }
0x7f: {  	_ =	shalt  }
0x80: {  	_ =	shalt  }
0x81: {  	_ =	shalt  }
0x82: {  	_ =	shalt  }
0x83: {  	_ =	shalt  }
0x84: {  	_ =	shalt  }
0x85: {  	_ =	shalt  }
0x86: {  	_ =	shalt  }
0x87: {  	_ =	shalt  }
.Lfunc_end0:
.L_simem_size_0:
called_computation_lowered:
.L_overlay_start_0:
0x88: {  	s2 =	sld [smem:$0x3FD9]  }
0x89: {  	s3 =	sld [smem:$0x3FFE];
	_ =	sdelay $0x1  }
0x8a: {  	s1 =	srdreg.scid  }
0x8b: {  	s0 =	sand.u32 $0x1, s1  }
0x8c: {  	s16 =	sshll.u32 s0, $0xA;
	s2 =	sadd.s32 s3, s2  }
0x8d: {  	s2 =	sadd.s32 s2, s16  }
0x8e: {  	[smem:$0x3FC4] =	sst s2  }
0x8f: {  	_ = 	snop  }
0x90: {  	(tm) =	ssettm $0x1  }
0x91: {  	s17 =	sld [smem:$0x3FFB];
	_ =	sdelay $0x3  }
0x92: {  	_ =	strace s17  }
0x93: {  	s2 =	sld [smem:$0x3FFC];
	_ =	sdelay $0x3  }
0x94: {  	_ =	strace s2  }
0x95: {  	s2 =	sld [smem:$0x3FFD];
	_ =	sdelay $0x3  }
0x96: {  	_ =	strace s2  }
0x97: {  	_ =	strace $0x8FFFFFFF  }
0x98: {  	s18 =	sld [smem:$0x3FDB];
	_ =	sdelay $0x1  }
0x99: {  	s19 =	simm.s32 $_scs_section_size  }
0x9a: {  	s4 =	simm.s32 $_size__tile_overlayer_lowered;
	s5 =	simm.s32 $_tile_overlayer_lowered  }
0x9b: {  	s22 =	simm.s32 $0x1BFF;
	s21 =	sshll.u32 s5, $0x1;
	s2 =	sadd.s32 s19, s18  }
0x9c: {  	s6 =	simm.s32 $0x0;
	s20 =	sshll.u32 s4, $0x1;
	s4 =	sadd.s32 s21, s2  }
0x9d: {  	[timem:s6], [sflag:s22] =	dma.local [hbm:s4], s20  }
0x9e: {  	_ =	swait.ge [sflag:s22], s20  }
0x9f: {  	s3 =	ssub.s32 $0x0, s20;
	[sflag:s22] =	ssyncset.done $0x0  }
0xa0: {  	[sflag:s22] =	ssyncadd.s32 s3;
	_ =	sdelay $0x1  }
0xa1: {  	s23 =	simm.s32 $0x1B8B  }
0xa2: {  	_ =	swait.ge [sflag:s23], $0x1  }
0xa3: {  	[sflag:s23] =	ssyncset.done $0x0  }
0xa4: {  	s25 =	simm.s32 $0x1B8E;
	s24 =	sld [smem:$0x3FFE];
	[sflag:s23] =	ssyncadd.s32 $0xFFFFFFFF  }
0xa5: {  	s26 =	simm.s32 $execute0_lowered;
	[smem:$0x3FD2] =	sst s25  }
0xa6: {  	s4 =	sshll.u32 s26, $0x1;
	_ =	strace $0x80000046;
	[dreg:$0x1] =	wrdreg $0xFFFFFFFF  }
0xa7: {  	s28 =	simm.s32 $_size_execute0_lowered;
	s2 =	sadd.s32 s2, s4;
	[dreg:$0x0] =	wrdreg $0x0  }
0xa8: {  	s4 =	sshll.u32 s28, $0x1;
	[dreg:$0x2] =	wrdreg s2  }
0xa9: {  	[dreg:$0x3] =	wrdreg s4  }
0xaa: {  	[dreg:$0x4] =	wrdreg $0xC0  }
0xab: {  	_ =	task [dreg:s6], $0x5FFFF  }
0xac: {  	[dreg:$0x1] =	wrdreg $0xFFFFFFFF  }
0xad: {  	[dreg:$0x0] =	wrdreg $0x60  }
0xae: {  	[dreg:$0x2] =	wrdreg s24  }
0xaf: {  	[dreg:$0x3] =	wrdreg $0x17000  }
0xb0: {  	[dreg:$0x4] =	wrdreg $0x9  }
0xb1: {  	_ =	task.clear_ibuf [dreg:s6], $0x5FFFF;
	_ =	strace $0x90000046  }
0xb2: {  	s29 =	simm.s32 $0x9;
	_ =	strace $0x80000048  }
0xb3: {  	_ =	swait.ge [sflag:s29], $0x1  }
0xb4: {  	[sflag:s29] =	ssyncadd.s32 $0xFFFFFFFF  }
0xb5: {  	_ =	strace $0x90000048  }
0xb6: {  	_ =	sfence  }
0xb7: {  	s30 =	sld [smem:$0x0];
	_ =	sdelay $0x2  }
0xb8: {  	s31 =	sshll.u32 s1, $0xD;
	s1 =	sshrl.u32 s1, $0x2  }
0xb9: {  	s3 =	sand.u32 $0x4000, s31;
	s1 =	sadd.s32 s1, s30  }
0xba: {  	s0 =	sor.u32 s3, s0;
	s1 =	sshll.u32 s1, $0x11  }
0xbb: {  	s0 =	sor.u32 s1, s0  }
0xbc: {  	s0 =	sadd.s32 $0x8F2B, s0  }
0xbd: {  	[sflag:s0] =	ssyncadd.remote.s32 $0x1  }
0xbe: {  	_ =	sfence.sel $0xFFFF  }
0xbf: {  	[dreg:$0x0] =	wrdreg $0xFFFFFFFF;
	(pc) =	sbr.abs _section_cstart, $3  }
0xc0: {  	[dreg:$0x1] =	wrdreg $0xFFFFFFFF  }
0xc1: {  	_ =	task.clear_ibuf [dreg:s6], $0x2FFFF;
	_ =	strace $0x9FFFFFFF  }
0xc2: {  	(tm) =	ssettm $0x7FFFFFFF  }
0xc3: {  	_ =	shalt  }
tec
execute0_lowered:
.L_overlay_start_1:
0x0: {  	(tag) =	ssettag $0x1  }
0x1: {  	s4 =	rddreg [dreg:$0x0];
	s0 =	srdreg.scid  }
0x2: {  	s2 =	rddreg [dreg:$0x1];
	s1 =	stileid.u32;
	s3 =	simm.s32 $0x0  }
0x3: {  	s10 =	simm.s32 $0x80;
	s11 =	simm.s32 $0x1400;
	s14 =	simm.s32 $0x20  }
0x4: {  	s15 =	simm.s32 $0x10;
	s16 =	simm.s32 $0x0;
	s7 =	smul.u32 $0x1400, s1  }
0x5: {  	s5 =	sand.u32 $0x1, s0;
	s0 =	rddreg [dreg:$0x2];
	s8 =	smul.u32 $0x500, s1  }
0x6: {  	[smem:$0x7FF] =	sst s3;
	s30 =	smul.u32 $0xA00, s1;
	s12 =	sshll.u32 s1, $0x6  }
0x7: {  	s6 =	smul.u32 $0x14000, s5;
	s29 =	sshll.u32 s5, $0x7;
	s5 =	ssub.s32 $0x2, s5  }
0x8: {  	_ =	strace $0x80000047;
	s12 =	sor.u32 $0x1C01, s12;
	s31 =	sshrl.u32 s5, $0x1  }
0x9: {  	s6 =	sadd.s32 s7, s6;
	s7 =	sor.u32 s29, s8;
	s8 =	sshrl.u32 s30, $0x2  }
0xa: {  	s9 =	ssub.s32 s5, s31;
	s6 =	sshrl.u32 s6, $0x3;
	s7 =	sshrl.u32 s7, $0x3  }
0xb: {  	s6 =	sadd.s32 s6, s4;
	s7 =	sadd.s32 s7, s4;
	s4 =	sadd.s32 s8, s2  }
0xc: {  	s8 =	simm.s32 $0x1480;
	s5 =	sadd.s32 $0xA00, s6;
	s6 =	sadd.s32 $0x5A00, s7  }
0xd: {  	v0 =	vimm.f32 $0.0e+00;
	v1 =	vimm.f32 $1.000000000e+00;
	s7 =	smax.u32 s9, $0x1;
	s9 =	simm.s32 $0x1;
	s13 =	sshrl.u32 s4, $0x3  }
.LBB2_1:
0xe: {  	[tilespmem:$0x1480] =	vst v0  }
0xf: {  	[tilespmem:$0x1490] =	vst v0  }
0x10: {  	[tilespmem:$0x14A0] =	vst v0  }
0x11: {  	[tilespmem:$0x14B0] =	vst v0  }
0x12: {  	[tilespmem:$0x14C0] =	vst v0  }
0x13: {  	[tilespmem:$0x14D0] =	vst v0  }
0x14: {  	[tilespmem:$0x14E0] =	vst v0  }
0x15: {  	[tilespmem:$0x14F0] =	vst v0  }
0x16: {  	[tilespmem:$0x1500] =	vst v0  }
0x17: {  	[tilespmem:$0x1510] =	vst v0  }
0x18: {  	[tilespmem:$0x1520] =	vst v0  }
0x19: {  	[tilespmem:$0x1530] =	vst v0  }
0x1a: {  	[tilespmem:$0x1540] =	vst v0  }
0x1b: {  	[tilespmem:$0x1550] =	vst v0  }
0x1c: {  	[tilespmem:$0x1560] =	vst v0  }
0x1d: {  	[tilespmem:$0x1570] =	vst v0  }
0x1e: {  	[tilespmem:$0x1580] =	vst v0  }
0x1f: {  	[tilespmem:$0x1590] =	vst v0  }
0x20: {  	[tilespmem:$0x15A0] =	vst v0  }
0x21: {  	[tilespmem:$0x15B0] =	vst v0  }
0x22: {  	[tilespmem:$0x15C0] =	vst v0  }
0x23: {  	[tilespmem:$0x15D0] =	vst v0  }
0x24: {  	[tilespmem:$0x15E0] =	vst v0  }
0x25: {  	[tilespmem:$0x15F0] =	vst v0  }
0x26: {  	[tilespmem:$0x1600] =	vst v0  }
0x27: {  	[tilespmem:$0x1610] =	vst v0  }
0x28: {  	[tilespmem:$0x1620] =	vst v0  }
0x29: {  	[tilespmem:$0x1630] =	vst v0  }
0x2a: {  	[tilespmem:$0x1640] =	vst v0  }
0x2b: {  	[tilespmem:$0x1650] =	vst v0  }
0x2c: {  	[tilespmem:$0x1660] =	vst v0  }
0x2d: {  	[tilespmem:$0x1670] =	vst v0  }
0x2e: {  	[tilespmem:$0x1680] =	vst v0  }
0x2f: {  	[tilespmem:$0x1690] =	vst v0  }
0x30: {  	[tilespmem:$0x16A0] =	vst v0  }
0x31: {  	[tilespmem:$0x16B0] =	vst v0  }
0x32: {  	[tilespmem:$0x16C0] =	vst v0  }
0x33: {  	[tilespmem:$0x16D0] =	vst v0  }
0x34: {  	[tilespmem:$0x16E0] =	vst v0  }
0x35: {  	[tilespmem:$0x16F0] =	vst v0  }
0x36: {  	[tilespmem:$0x1400] =	vst v1  }
0x37: {  	[tilespmem:$0x1410] =	vst v1  }
0x38: {  	[tilespmem:$0x1420] =	vst v1  }
0x39: {  	[tilespmem:$0x1430] =	vst v1  }
0x3a: {  	[tilespmem:$0x1440] =	vst v1  }
0x3b: {  	[tilespmem:$0x1450] =	vst v1  }
0x3c: {  	[tilespmem:$0x1460] =	vst v1  }
0x3d: {  	[tilespmem:$0x1470] =	vst v1  }
0x3e: {  	[spmem:s4] =	stream.linear.scatter [tilespmem:s8], [sflag:$0x1], $0x280, $0x38;
	[tilespmem:$0x1980] =	vst v63  }
0x3f: {  	_ =	swait.ge [sflag:s9], $0x280  }
0x40: {  	[sflag:s9] =	ssyncset.done $0x0  }
0x41: {  	[sflag:s9] =	ssyncadd.s32 $0xFFFFFD80  }
0x42: {  	[bflag:$0x0] =	sbarrier.arrive $0xFFFF  }
0x43: {  	[tilespmem:s3], [sflag:$0x1] =	stream.linear.gather [hbm4b:s5+s3], $0x1400, $0x38;
	[tilespmem:$0x1980] =	vst v63  }
0x44: {  	_ =	swait.ge [sflag:s9], $0x1400  }
0x45: {  	[sflag:s9] =	ssyncset.done $0x0  }
0x46: {  	s17 =	simm.s32 $0x0;
	[sflag:s9] =	ssyncadd.s32 $0xFFFFEC00  }
0x47: {  	[spmem:s2] =	stream.indirect.scatter.add.f32 [tilespmem:s11], [sflag:$0x1], $0x1, s17, s10, $0xb8;
	[tilespmem:$0x1980] =	vst v63  }
0x48: {  	_ =	swait.ge [sflag:s9], $0x80  }
0x49: {  	s17 =	simm.s32 $0x200;
	[sflag:s9] =	ssyncset.done $0x0  }
.LBB2_2:
0x4a: {  	s18 =	sshra.s32 s17, $0x2;
	[sflag:s9] =	ssyncadd.s32 $0xFFFFFF80;
	p0 =	sne.s32 s17, $0x4E00  }
0x4b: {  	[spmem:s2] =	stream.indirect.scatter.add.f32 [tilespmem:s11], [sflag:$0x1], $0x1, s18, s10, $0xb8;
	[tilespmem:$0x1980] =	vst v63  }
.Ltmp0:
0x4c: {  	_ = 	snop;
	(pc) =	sbr.rel @p0 .LBB2_2-.Ltmp0, $4  }
0x4d: {  	_ = 	snop  }
0x4e: {  	s17 =	sadd.s32 $0x200, s17  }
0x4f: {  	_ =	swait.ge [sflag:s9], $0x80  }
0x50: {  	[sflag:s9] =	ssyncset.done $0x0  }
0x51: {  	s16 =	sadd.s32 $0x1, s16  }
0x52: {  	[sflag:s9] =	ssyncadd.s32 $0xFFFFFF80;
	p0 =	sne.s32 s16, s7  }
.Ltmp1:
0x53: {  	[bflag:$0x0] =	sbarrier.arrive $0xFFFF;
	(pc) =	sbr.rel @p0 .LBB2_1-.Ltmp1, $4  }
0x54: {  	[hbm:s6@s14], [sflag:s12] =	dma.strided [spmem:s13@s15], $0x50, s9, $0x10   }
0x55: {  	_ =	swait.ge [sflag:s9], $0x50  }
0x56: {  	[sflag:s9] =	ssyncset.done $0x0  }
0x57: {  	[sflag:s9] =	ssyncadd.s32 $0xFFFFFFB0  }
0x58: {  	_ =	sfence.sel $0x180000  }
0x59: {  	[bflag:$0x0] =	sbarrier.arrive $0xFFFF  }
0x5a: {  	p0 =	sne.s32 s1, $0x0;
	_ =	strace $0x90000047  }
0x5b: {  	s0 =	sadd.s32 @!p0 $0x100000, s0;
	[bflag:$0x2] =	sbarrier.arrive $0xFFFF  }
0x5c: {  	[sflag:s0] =	ssyncadd.tile.s32 @!p0 $0x1;
	_ =	shalt  }
.Lfunc_end2:
_tile_overlayer_lowered:
.L_overlay_start_2:
0x5d: {  	(tag) =	ssettag $0x2  }
0x5e: {  	s0 =	rddreg [dreg:$0x0];
	s2 =	stileid.u32  }
0x5f: {  	s1 =	rddreg [dreg:$0x1];
	p0 =	sne.s32 s2, $0x0  }
0x60: {  	s3 =	rddreg [dreg:$0x2];
	[bflag:$0x3] =	sbarrier.arrive $0xFFFF;
	s2 =	simm.s32 @!p0 $0x1C01  }
0x61: {  	[timem:s3], [sflag:s2] =	dma.local @!p0 [hbm:s0], s1  }
0x62: {  	s0 =	simm.s32 @!p0 $0x1  }
0x63: {  	_ =	swait.ge @!p0 [sflag:s0], s1  }
0x64: {  	s1 =	ssub.s32 @!p0 $0x0, s1;
	[sflag:s0] =	ssyncset.done @!p0 $0x0  }
0x65: {  	[sflag:s0] =	ssyncadd.s32 @!p0 s1  }
0x66: {  	[bflag:$0x3] =	sbarrier.arrive $0xFFFF  }
0x67: {  	_ =	shalt  }

</sc_bundles>
